<compile_context>
chip_gen: v7x
topology: tpu7x:2x2x1
jax: 0.10.2.dev20260603
libtpu: 0.0.44.dev20260713+nightly
codegen_flags: <defaults>
</compile_context>

<pallas_src>
import functools

import jax
import jax.numpy as jnp
from jax import lax
from jax.experimental import pallas as pl
from jax.experimental.pallas import tpu as pltpu
from jax.experimental.pallas import tpu_sc as plsc

D = 64
BATCH = 4096
HIST = 200
B = BATCH * HIST

NC = 2
NS = 16
NW = NC * NS
PW = B // NW
CHUNK = 128
NCHUNK = PW // CHUNK
LANES = 16


def _sc_body(x_hbm, table_hbm, out_hbm, pidx_v, rows_v, sout_v,
             isem, gsem, osem):
    wid = lax.axis_index("s") * NC + lax.axis_index("c")
    base = wid * PW

    def idx_issue(c, b):
        pltpu.async_copy(
            x_hbm.at[pl.ds(base + c * CHUNK, CHUNK)],
            pidx_v.at[b].at[pl.ds(0, CHUNK)], isem.at[b])

    def idx_wait(b):
        pltpu.make_async_copy(
            x_hbm.at[pl.ds(base, CHUNK)],
            pidx_v.at[b].at[pl.ds(0, CHUNK)], isem.at[b]).wait()

    def gather_issue(b):
        pltpu.async_copy(
            table_hbm.at[pidx_v.at[b].at[pl.ds(0, CHUNK)]], rows_v.at[b],
            gsem.at[b])

    def gather_wait(b):
        pltpu.make_async_copy(
            table_hbm.at[pidx_v.at[b].at[pl.ds(0, CHUNK)]], rows_v.at[b],
            gsem.at[b]).wait()

    def wo_issue(c, b):
        pltpu.async_copy(
            sout_v.at[b], out_hbm.at[pl.ds(base + c * CHUNK, CHUNK)],
            osem.at[b])

    def wo_wait(b):
        pltpu.make_async_copy(
            sout_v.at[b], out_hbm.at[pl.ds(base, CHUNK)], osem.at[b]).wait()

    def compute(b):
        def rbody(i, _):
            for j in range(D // LANES):
                v = rows_v[b, i, pl.ds(j * LANES, LANES)]
                sout_v[b, i, pl.ds(j * LANES, LANES)] = jnp.sign(v)
            return 0
        lax.fori_loop(0, CHUNK, rbody, 0)

    def chunk_body(c, b, prep_next, wait_wo, stage_next):
        if prep_next:
            b1 = (c + 1) % 2
            idx_wait(b1)
            gather_issue(b1)
        gather_wait(b)
        if wait_wo:
            wo_wait(b)
        compute(b)
        wo_issue(c, b)
        if stage_next:
            idx_issue(c + 2, b)

    idx_issue(0, 0)
    idx_wait(0)
    gather_issue(0)
    idx_issue(1, 1)

    chunk_body(0, 0, True, False, True)
    chunk_body(1, 1, True, False, True)

    def outer(t, _):
        c0 = t * 2
        chunk_body(c0, 0, True, True, True)
        chunk_body(c0 + 1, 1, True, True, True)
        return 0

    lax.fori_loop(1, NCHUNK // 2 - 1, outer, 0)

    c0 = NCHUNK - 2
    chunk_body(c0, 0, True, True, False)
    chunk_body(c0 + 1, 1, False, True, False)

    wo_wait(0)
    wo_wait(1)


@functools.partial(jax.jit, static_argnames=())
def kernel(x, table):
    x_flat = x.reshape(-1)
    mesh = plsc.VectorSubcoreMesh(core_axis_name="c", subcore_axis_name="s")
    table2 = jnp.pad(table, ((0, 0), (0, D)))
    out = pl.kernel(
        _sc_body,
        mesh=mesh,
        out_type=jax.ShapeDtypeStruct((B, D), jnp.float32),
        scratch_types=[
            pltpu.VMEM((2, 2 * CHUNK), jnp.int32),
            pltpu.VMEM((2, CHUNK, 2 * D), jnp.float32),
            pltpu.VMEM((2, CHUNK, D), jnp.float32),
            pltpu.SemaphoreType.DMA((2,)),
            pltpu.SemaphoreType.DMA((2,)),
            pltpu.SemaphoreType.DMA((2,)),
        ],
    )(x_flat, table2)
    return out.reshape(BATCH, HIST, D)

# --- scband reference (transcript-rebuilt; emitter-appended) ---
"""Pipeline reference for scband-ternary-embedding-87247965651267 (READ-ONLY COPY).

The authoritative reference and input builder live on the scoring server;
editing this copy changes nothing except your own understanding.
"""

import jax, jax.numpy as jnp
import numpy as np

VOCAB = 1000000
D_MODEL = 64
BATCH = 4096
HIST = 200


def setup_inputs(seed: int = 0) -> dict:
    key = jax.random.key(seed)
    k1, k2 = jax.random.split(key)
    x = jax.random.randint(k1, (BATCH, HIST), 0, VOCAB, dtype=jnp.int32)
    table = jax.random.normal(k2, (VOCAB, D_MODEL), dtype=jnp.float32)
    return {"x": x, "table": table}


def reference(x, table):
    # embedding lookup (gather) followed by elementwise sign -> ternary embedding
    embedded = jnp.take(table, x, axis=0)
    return jnp.sign(embedded)

if __name__ == "__main__":
    import jax
    _d = setup_inputs()
    print(jax.jit(kernel)(*tuple(_d.values())))

</pallas_src>

<mosaic_0001>
#map = affine_map<(d0, d1) -> (0)>
#map1 = affine_map<(d0, d1) -> (0, 0)>
module attributes {stable_mosaic.version = 14 : i64} {
  func.func @_sc_body(%arg0: i32, %arg1: i32, %arg2: memref<819200xi32, #tpu.memory_space<hbm>>, %arg3: memref<1000000x128xf32, #tpu.memory_space<hbm>>, %arg4: memref<819200x64xf32, #tpu.memory_space<hbm>>, %arg5: memref<2x256xi32, #tpu.memory_space<vmem>>, %arg6: memref<2x128x128xf32, #tpu.memory_space<vmem>>, %arg7: memref<2x128x64xf32, #tpu.memory_space<vmem>>, %arg8: memref<2x!tpu.dma_semaphore, #tpu.memory_space<semaphore_mem>>, %arg9: memref<2x!tpu.dma_semaphore, #tpu.memory_space<semaphore_mem>>, %arg10: memref<2x!tpu.dma_semaphore, #tpu.memory_space<semaphore_mem>>) attributes {dimension_semantics = [#tpu.dimension_semantics<core_parallel>, #tpu.dimension_semantics<subcore_parallel>], iteration_bounds = array<i64: 2, 16>, scalar_prefetch = 0 : i64, scratch_operands = 6 : i64, tpu.core_type = #tpu.core_type<sc_vector_subcore>, window_params = [{transform_indices = #map}, {transform_indices = #map1}, {transform_indices = #map1}]} {
    %mul3A = arith.constant 2 : i32
    %mul3A_0 = arith.muli %arg1, %mul3A : i32
    %add3A = arith.addi %mul3A_0, %arg0 : i32
    %mul3A_1 = arith.constant 25600 : i32
    %mul3A_2 = arith.muli %add3A, %mul3A_1 : i32
    %add3A_3 = arith.constant 0 : i32
    %add3A_4 = arith.addi %mul3A_2, %add3A_3 : i32
    %dma_start3A = arith.constant 0 : i32
    %dma_start3A_5 = arith.constant 0 : i32
    %dma_start3A_6 = arith.constant 0 : i32
    %dma_start3A_7 = tpu.memref_slice %arg5[%dma_start3A, %dma_start3A_6] : memref<2x256xi32, #tpu.memory_space<vmem>> -> memref<1x256xi32, #tpu.memory_space<vmem>>
    %dma_start3A_8 = tpu.memref_squeeze %dma_start3A_7 : memref<1x256xi32, #tpu.memory_space<vmem>> -> memref<256xi32, #tpu.memory_space<vmem>>
    %dma_start3A_9 = arith.constant 0 : i32
    %dma_start3A_10 = tpu.memref_slice %dma_start3A_8[%dma_start3A_9] : memref<256xi32, #tpu.memory_space<vmem>> -> memref<128xi32, #tpu.memory_space<vmem>>
    %dma_start3A_11 = tpu.memref_slice %arg2[%add3A_4] : memref<819200xi32, #tpu.memory_space<hbm>> -> memref<128xi32, #tpu.memory_space<hbm>>
    %dma_start3A_12 = tpu.memref_slice %arg8[%dma_start3A_5] : memref<2x!tpu.dma_semaphore, #tpu.memory_space<semaphore_mem>> -> memref<1x!tpu.dma_semaphore, #tpu.memory_space<semaphore_mem>>
    %dma_start3A_13 = tpu.memref_squeeze %dma_start3A_12 : memref<1x!tpu.dma_semaphore, #tpu.memory_space<semaphore_mem>> -> memref<!tpu.dma_semaphore, #tpu.memory_space<semaphore_mem>>
    %dma_start3A_14 = arith.constant 0 : i32
    %dma_start3A_15 = tpu.memref_slice %arg5[%dma_start3A, %dma_start3A_14] : memref<2x256xi32, #tpu.memory_space<vmem>> -> memref<1x256xi32, #tpu.memory_space<vmem>>
    %dma_start3A_16 = tpu.memref_squeeze %dma_start3A_15 : memref<1x256xi32, #tpu.memory_space<vmem>> -> memref<256xi32, #tpu.memory_space<vmem>>
    %dma_start3A_17 = arith.constant 0 : i32
    %dma_start3A_18 = tpu.memref_slice %dma_start3A_16[%dma_start3A_17] : memref<256xi32, #tpu.memory_space<vmem>> -> memref<128xi32, #tpu.memory_space<vmem>>
    %dma_start3A_19 = tpu.memref_slice %arg2[%add3A_4] : memref<819200xi32, #tpu.memory_space<hbm>> -> memref<128xi32, #tpu.memory_space<hbm>>
    tpu.enqueue_dma source(%dma_start3A_19 : memref<128xi32, #tpu.memory_space<hbm>>) target(%dma_start3A_18 : memref<128xi32, #tpu.memory_space<vmem>>) target_semaphore(%dma_start3A_13 : memref<!tpu.dma_semaphore, #tpu.memory_space<semaphore_mem>>)
    %dma_wait3A = arith.constant 0 : i32
    %dma_wait3A_20 = arith.constant 0 : i32
    %dma_wait3A_21 = arith.constant 0 : i32
    %dma_wait3A_22 = tpu.memref_slice %arg5[%dma_wait3A, %dma_wait3A_21] : memref<2x256xi32, #tpu.memory_space<vmem>> -> memref<1x256xi32, #tpu.memory_space<vmem>>
    %dma_wait3A_23 = tpu.memref_squeeze %dma_wait3A_22 : memref<1x256xi32, #tpu.memory_space<vmem>> -> memref<256xi32, #tpu.memory_space<vmem>>
    %dma_wait3A_24 = arith.constant 0 : i32
    %dma_wait3A_25 = tpu.memref_slice %dma_wait3A_23[%dma_wait3A_24] : memref<256xi32, #tpu.memory_space<vmem>> -> memref<128xi32, #tpu.memory_space<vmem>>
    %dma_wait3A_26 = tpu.memref_slice %arg2[%mul3A_2] : memref<819200xi32, #tpu.memory_space<hbm>> -> memref<128xi32, #tpu.memory_space<hbm>>
    %dma_wait3A_27 = tpu.memref_slice %arg8[%dma_wait3A_20] : memref<2x!tpu.dma_semaphore, #tpu.memory_space<semaphore_mem>> -> memref<1x!tpu.dma_semaphore, #tpu.memory_space<semaphore_mem>>
    %dma_wait3A_28 = tpu.memref_squeeze %dma_wait3A_27 : memref<1x!tpu.dma_semaphore, #tpu.memory_space<semaphore_mem>> -> memref<!tpu.dma_semaphore, #tpu.memory_space<semaphore_mem>>
    %dma_wait3A_29 = arith.constant 0 : i32
    %dma_wait3A_30 = tpu.memref_slice %arg5[%dma_wait3A, %dma_wait3A_29] : memref<2x256xi32, #tpu.memory_space<vmem>> -> memref<1x256xi32, #tpu.memory_space<vmem>>
    %dma_wait3A_31 = tpu.memref_squeeze %dma_wait3A_30 : memref<1x256xi32, #tpu.memory_space<vmem>> -> memref<256xi32, #tpu.memory_space<vmem>>
    %dma_wait3A_32 = arith.constant 0 : i32
    %dma_wait3A_33 = tpu.memref_slice %dma_wait3A_31[%dma_wait3A_32] : memref<256xi32, #tpu.memory_space<vmem>> -> memref<128xi32, #tpu.memory_space<vmem>>
    %dma_wait3A_34 = tpu.memref_slice %arg2[%mul3A_2] : memref<819200xi32, #tpu.memory_space<hbm>> -> memref<128xi32, #tpu.memory_space<hbm>>
    tpu.wait_dma2 semaphore(%dma_wait3A_28 : memref<!tpu.dma_semaphore, #tpu.memory_space<semaphore_mem>>) src(%dma_wait3A_34 : memref<128xi32, #tpu.memory_space<hbm>>) dst(%dma_wait3A_33 : memref<128xi32, #tpu.memory_space<vmem>>)
    %dma_start3A_35 = arith.constant 0 : i32
    %dma_start3A_36 = arith.constant 0 : i32
    %dma_start3A_37 = arith.constant 0 : i32
    %dma_start3A_38 = arith.constant 0 : i32
    %dma_start3A_39 = arith.constant 0 : i32
    %dma_start3A_40 = tpu.memref_slice %arg6[%dma_start3A_36, %dma_start3A_38, %dma_start3A_39] : memref<2x128x128xf32, #tpu.memory_space<vmem>> -> memref<1x128x128xf32, #tpu.memory_space<vmem>>
    %dma_start3A_41 = tpu.memref_squeeze %dma_start3A_40 : memref<1x128x128xf32, #tpu.memory_space<vmem>> -> memref<128x128xf32, #tpu.memory_space<vmem>>
    %dma_start3A_42 = arith.constant 0 : i32
    %dma_start3A_43 = tpu.memref_slice %arg5[%dma_start3A_35, %dma_start3A_42] : memref<2x256xi32, #tpu.memory_space<vmem>> -> memref<1x256xi32, #tpu.memory_space<vmem>>
    %dma_start3A_44 = tpu.memref_squeeze %dma_start3A_43 : memref<1x256xi32, #tpu.memory_space<vmem>> -> memref<256xi32, #tpu.memory_space<vmem>>
    %dma_start3A_45 = arith.constant 0 : i32
    %dma_start3A_46 = tpu.memref_slice %dma_start3A_44[%dma_start3A_45] : memref<256xi32, #tpu.memory_space<vmem>> -> memref<128xi32, #tpu.memory_space<vmem>>
    %dma_start3A_47 = arith.constant 0 : i32
    %dma_start3A_48 = arith.constant 0 : i32
    %dma_start3A_49 = tpu.memref_slice %arg3[%dma_start3A_47, %dma_start3A_48] : memref<1000000x128xf32, #tpu.memory_space<hbm>> -> memref<1000000x128xf32, #tpu.memory_space<hbm>>
    %dma_start3A_50 = tpu.memref_slice %arg9[%dma_start3A_37] : memref<2x!tpu.dma_semaphore, #tpu.memory_space<semaphore_mem>> -> memref<1x!tpu.dma_semaphore, #tpu.memory_space<semaphore_mem>>
    %dma_start3A_51 = tpu.memref_squeeze %dma_start3A_50 : memref<1x!tpu.dma_semaphore, #tpu.memory_space<semaphore_mem>> -> memref<!tpu.dma_semaphore, #tpu.memory_space<semaphore_mem>>
    tpu.enqueue_indirect_dma source(%dma_start3A_49 : memref<1000000x128xf32, #tpu.memory_space<hbm>>) target(%dma_start3A_41 : memref<128x128xf32, #tpu.memory_space<vmem>>) offsets(%dma_start3A_46 : memref<128xi32, #tpu.memory_space<vmem>>) semaphore(%dma_start3A_51 : memref<!tpu.dma_semaphore, #tpu.memory_space<semaphore_mem>>)
    %add3A_52 = arith.constant 128 : i32
    %add3A_53 = arith.addi %mul3A_2, %add3A_52 : i32
    %dma_start3A_54 = arith.constant 1 : i32
    %dma_start3A_55 = arith.constant 1 : i32
    %dma_start3A_56 = arith.constant 0 : i32
    %dma_start3A_57 = tpu.memref_slice %arg5[%dma_start3A_54, %dma_start3A_56] : memref<2x256xi32, #tpu.memory_space<vmem>> -> memref<1x256xi32, #tpu.memory_space<vmem>>
    %dma_start3A_58 = tpu.memref_squeeze %dma_start3A_57 : memref<1x256xi32, #tpu.memory_space<vmem>> -> memref<256xi32, #tpu.memory_space<vmem>>
    %dma_start3A_59 = arith.constant 0 : i32
    %dma_start3A_60 = tpu.memref_slice %dma_start3A_58[%dma_start3A_59] : memref<256xi32, #tpu.memory_space<vmem>> -> memref<128xi32, #tpu.memory_space<vmem>>
    %dma_start3A_61 = tpu.memref_slice %arg2[%add3A_53] : memref<819200xi32, #tpu.memory_space<hbm>> -> memref<128xi32, #tpu.memory_space<hbm>>
    %dma_start3A_62 = tpu.memref_slice %arg8[%dma_start3A_55] : memref<2x!tpu.dma_semaphore, #tpu.memory_space<semaphore_mem>> -> memref<1x!tpu.dma_semaphore, #tpu.memory_space<semaphore_mem>>
    %dma_start3A_63 = tpu.memref_squeeze %dma_start3A_62 : memref<1x!tpu.dma_semaphore, #tpu.memory_space<semaphore_mem>> -> memref<!tpu.dma_semaphore, #tpu.memory_space<semaphore_mem>>
    %dma_start3A_64 = arith.constant 0 : i32
    %dma_start3A_65 = tpu.memref_slice %arg5[%dma_start3A_54, %dma_start3A_64] : memref<2x256xi32, #tpu.memory_space<vmem>> -> memref<1x256xi32, #tpu.memory_space<vmem>>
    %dma_start3A_66 = tpu.memref_squeeze %dma_start3A_65 : memref<1x256xi32, #tpu.memory_space<vmem>> -> memref<256xi32, #tpu.memory_space<vmem>>
    %dma_start3A_67 = arith.constant 0 : i32
    %dma_start3A_68 = tpu.memref_slice %dma_start3A_66[%dma_start3A_67] : memref<256xi32, #tpu.memory_space<vmem>> -> memref<128xi32, #tpu.memory_space<vmem>>
    %dma_start3A_69 = tpu.memref_slice %arg2[%add3A_53] : memref<819200xi32, #tpu.memory_space<hbm>> -> memref<128xi32, #tpu.memory_space<hbm>>
    tpu.enqueue_dma source(%dma_start3A_69 : memref<128xi32, #tpu.memory_space<hbm>>) target(%dma_start3A_68 : memref<128xi32, #tpu.memory_space<vmem>>) target_semaphore(%dma_start3A_63 : memref<!tpu.dma_semaphore, #tpu.memory_space<semaphore_mem>>)
    %dma_wait3A_70 = arith.constant 1 : i32
    %dma_wait3A_71 = arith.constant 1 : i32
    %dma_wait3A_72 = arith.constant 0 : i32
    %dma_wait3A_73 = tpu.memref_slice %arg5[%dma_wait3A_70, %dma_wait3A_72] : memref<2x256xi32, #tpu.memory_space<vmem>> -> memref<1x256xi32, #tpu.memory_space<vmem>>
    %dma_wait3A_74 = tpu.memref_squeeze %dma_wait3A_73 : memref<1x256xi32, #tpu.memory_space<vmem>> -> memref<256xi32, #tpu.memory_space<vmem>>
    %dma_wait3A_75 = arith.constant 0 : i32
    %dma_wait3A_76 = tpu.memref_slice %dma_wait3A_74[%dma_wait3A_75] : memref<256xi32, #tpu.memory_space<vmem>> -> memref<128xi32, #tpu.memory_space<vmem>>
    %dma_wait3A_77 = tpu.memref_slice %arg2[%mul3A_2] : memref<819200xi32, #tpu.memory_space<hbm>> -> memref<128xi32, #tpu.memory_space<hbm>>
    %dma_wait3A_78 = tpu.memref_slice %arg8[%dma_wait3A_71] : memref<2x!tpu.dma_semaphore, #tpu.memory_space<semaphore_mem>> -> memref<1x!tpu.dma_semaphore, #tpu.memory_space<semaphore_mem>>
    %dma_wait3A_79 = tpu.memref_squeeze %dma_wait3A_78 : memref<1x!tpu.dma_semaphore, #tpu.memory_space<semaphore_mem>> -> memref<!tpu.dma_semaphore, #tpu.memory_space<semaphore_mem>>
    %dma_wait3A_80 = arith.constant 0 : i32
    %dma_wait3A_81 = tpu.memref_slice %arg5[%dma_wait3A_70, %dma_wait3A_80] : memref<2x256xi32, #tpu.memory_space<vmem>> -> memref<1x256xi32, #tpu.memory_space<vmem>>
    %dma_wait3A_82 = tpu.memref_squeeze %dma_wait3A_81 : memref<1x256xi32, #tpu.memory_space<vmem>> -> memref<256xi32, #tpu.memory_space<vmem>>
    %dma_wait3A_83 = arith.constant 0 : i32
    %dma_wait3A_84 = tpu.memref_slice %dma_wait3A_82[%dma_wait3A_83] : memref<256xi32, #tpu.memory_space<vmem>> -> memref<128xi32, #tpu.memory_space<vmem>>
    %dma_wait3A_85 = tpu.memref_slice %arg2[%mul3A_2] : memref<819200xi32, #tpu.memory_space<hbm>> -> memref<128xi32, #tpu.memory_space<hbm>>
    tpu.wait_dma2 semaphore(%dma_wait3A_79 : memref<!tpu.dma_semaphore, #tpu.memory_space<semaphore_mem>>) src(%dma_wait3A_85 : memref<128xi32, #tpu.memory_space<hbm>>) dst(%dma_wait3A_84 : memref<128xi32, #tpu.memory_space<vmem>>)
    %dma_start3A_86 = arith.constant 1 : i32
    %dma_start3A_87 = arith.constant 1 : i32
    %dma_start3A_88 = arith.constant 1 : i32
    %dma_start3A_89 = arith.constant 0 : i32
    %dma_start3A_90 = arith.constant 0 : i32
    %dma_start3A_91 = tpu.memref_slice %arg6[%dma_start3A_87, %dma_start3A_89, %dma_start3A_90] : memref<2x128x128xf32, #tpu.memory_space<vmem>> -> memref<1x128x128xf32, #tpu.memory_space<vmem>>
    %dma_start3A_92 = tpu.memref_squeeze %dma_start3A_91 : memref<1x128x128xf32, #tpu.memory_space<vmem>> -> memref<128x128xf32, #tpu.memory_space<vmem>>
    %dma_start3A_93 = arith.constant 0 : i32
    %dma_start3A_94 = tpu.memref_slice %arg5[%dma_start3A_86, %dma_start3A_93] : memref<2x256xi32, #tpu.memory_space<vmem>> -> memref<1x256xi32, #tpu.memory_space<vmem>>
    %dma_start3A_95 = tpu.memref_squeeze %dma_start3A_94 : memref<1x256xi32, #tpu.memory_space<vmem>> -> memref<256xi32, #tpu.memory_space<vmem>>
    %dma_start3A_96 = arith.constant 0 : i32
    %dma_start3A_97 = tpu.memref_slice %dma_start3A_95[%dma_start3A_96] : memref<256xi32, #tpu.memory_space<vmem>> -> memref<128xi32, #tpu.memory_space<vmem>>
    %dma_start3A_98 = arith.constant 0 : i32
    %dma_start3A_99 = arith.constant 0 : i32
    %dma_start3A_100 = tpu.memref_slice %arg3[%dma_start3A_98, %dma_start3A_99] : memref<1000000x128xf32, #tpu.memory_space<hbm>> -> memref<1000000x128xf32, #tpu.memory_space<hbm>>
    %dma_start3A_101 = tpu.memref_slice %arg9[%dma_start3A_88] : memref<2x!tpu.dma_semaphore, #tpu.memory_space<semaphore_mem>> -> memref<1x!tpu.dma_semaphore, #tpu.memory_space<semaphore_mem>>
    %dma_start3A_102 = tpu.memref_squeeze %dma_start3A_101 : memref<1x!tpu.dma_semaphore, #tpu.memory_space<semaphore_mem>> -> memref<!tpu.dma_semaphore, #tpu.memory_space<semaphore_mem>>
    tpu.enqueue_indirect_dma source(%dma_start3A_100 : memref<1000000x128xf32, #tpu.memory_space<hbm>>) target(%dma_start3A_92 : memref<128x128xf32, #tpu.memory_space<vmem>>) offsets(%dma_start3A_97 : memref<128xi32, #tpu.memory_space<vmem>>) semaphore(%dma_start3A_102 : memref<!tpu.dma_semaphore, #tpu.memory_space<semaphore_mem>>)
    %dma_wait3A_103 = arith.constant 0 : i32
    %dma_wait3A_104 = arith.constant 0 : i32
    %dma_wait3A_105 = arith.constant 0 : i32
    %dma_wait3A_106 = arith.constant 0 : i32
    %dma_wait3A_107 = arith.constant 0 : i32
    %dma_wait3A_108 = tpu.memref_slice %arg6[%dma_wait3A_104, %dma_wait3A_106, %dma_wait3A_107] : memref<2x128x128xf32, #tpu.memory_space<vmem>> -> memref<1x128x128xf32, #tpu.memory_space<vmem>>
    %dma_wait3A_109 = tpu.memref_squeeze %dma_wait3A_108 : memref<1x128x128xf32, #tpu.memory_space<vmem>> -> memref<128x128xf32, #tpu.memory_space<vmem>>
    %dma_wait3A_110 = arith.constant 0 : i32
    %dma_wait3A_111 = tpu.memref_slice %arg5[%dma_wait3A_103, %dma_wait3A_110] : memref<2x256xi32, #tpu.memory_space<vmem>> -> memref<1x256xi32, #tpu.memory_space<vmem>>
    %dma_wait3A_112 = tpu.memref_squeeze %dma_wait3A_111 : memref<1x256xi32, #tpu.memory_space<vmem>> -> memref<256xi32, #tpu.memory_space<vmem>>
    %dma_wait3A_113 = arith.constant 0 : i32
    %dma_wait3A_114 = tpu.memref_slice %dma_wait3A_112[%dma_wait3A_113] : memref<256xi32, #tpu.memory_space<vmem>> -> memref<128xi32, #tpu.memory_space<vmem>>
    %dma_wait3A_115 = arith.constant 0 : i32
    %dma_wait3A_116 = arith.constant 0 : i32
    %dma_wait3A_117 = tpu.memref_slice %arg3[%dma_wait3A_115, %dma_wait3A_116] : memref<1000000x128xf32, #tpu.memory_space<hbm>> -> memref<1000000x128xf32, #tpu.memory_space<hbm>>
    %dma_wait3A_118 = tpu.memref_slice %arg9[%dma_wait3A_105] : memref<2x!tpu.dma_semaphore, #tpu.memory_space<semaphore_mem>> -> memref<1x!tpu.dma_semaphore, #tpu.memory_space<semaphore_mem>>
    %dma_wait3A_119 = tpu.memref_squeeze %dma_wait3A_118 : memref<1x!tpu.dma_semaphore, #tpu.memory_space<semaphore_mem>> -> memref<!tpu.dma_semaphore, #tpu.memory_space<semaphore_mem>>
    tpu.wait_indirect_dma semaphore(%dma_wait3A_119 : memref<!tpu.dma_semaphore, #tpu.memory_space<semaphore_mem>>) src(%dma_wait3A_117 : memref<1000000x128xf32, #tpu.memory_space<hbm>>) dst(%dma_wait3A_109 : memref<128x128xf32, #tpu.memory_space<vmem>>)
    %scan3A = arith.constant 0 : i32
    %scan3A_120 = arith.constant 0 : i32
    %scan3A_121 = arith.constant 128 : i32
    %scan3A_122 = arith.addi %scan3A_120, %scan3A_121 : i32
    %scan3A_123 = arith.constant 1 : i32
    %scan3A_124 = scf.for %scan3A_443 = %scan3A_120 to %scan3A_122 step %scan3A_123 iter_args(%scan3A_444 = %scan3A) -> (i32)  : i32 {
      %get3A = arith.constant 0 : i32
      %get3A_445 = arith.index_cast %get3A : i32 to index
      %get3A_446 = arith.index_cast %scan3A_443 : i32 to index
      %get3A_447 = arith.constant 0 : index
      %get3A_448 = tpu.vector_load %arg6[%get3A_445, %get3A_446, %get3A_447] {strides = array<i32>} : memref<2x128x128xf32, #tpu.memory_space<vmem>>, vector<1x1x16xf32>,
      %get3A_449 = vector.shape_cast %get3A_448 : vector<1x1x16xf32> to vector<16xf32>
      %sign3A = tpu.bitcast %get3A_449 : vector<16xf32> -> vector<16xi32>
      %sign3A_450 = arith.constant -2147483648 : i32
      %sign3A_451 = vector.broadcast %sign3A_450 : i32 to vector<16xi32>
      %sign3A_452 = arith.andi %sign3A, %sign3A_451 : vector<16xi32>
      %sign3A_453 = arith.constant 1065353216 : i32
      %sign3A_454 = vector.broadcast %sign3A_453 : i32 to vector<16xi32>
      %sign3A_455 = arith.ori %sign3A_454, %sign3A_452 : vector<16xi32>
      %sign3A_456 = tpu.bitcast %sign3A_455 : vector<16xi32> -> vector<16xf32>
      %sign3A_457 = math.absf %get3A_449 : vector<16xf32>
      %sign3A_458 = arith.constant 0.000000e+00 : f32
      %sign3A_459 = vector.broadcast %sign3A_458 : f32 to vector<16xf32>
      %sign3A_460 = arith.cmpf ogt, %sign3A_457, %sign3A_459 : vector<16xf32>
      %sign3A_461 = arith.select %sign3A_460, %sign3A_456, %get3A_449 : vector<16xi1>, vector<16xf32>
      %swap3A = arith.constant 0 : i32
      %swap3A_462 = arith.index_cast %swap3A : i32 to index
      %swap3A_463 = arith.index_cast %scan3A_443 : i32 to index
      %swap3A_464 = arith.constant 0 : index
      %swap3A_465 = tpu.vector_load %arg7[%swap3A_462, %swap3A_463, %swap3A_464] {strides = array<i32>} : memref<2x128x64xf32, #tpu.memory_space<vmem>>, vector<1x1x16xf32>,
      %swap3A_466 = vector.shape_cast %swap3A_465 : vector<1x1x16xf32> to vector<16xf32>
      %swap3A_467 = vector.shape_cast %sign3A_461 : vector<16xf32> to vector<1x1x16xf32>
      tpu.vector_store %arg7[%swap3A_462, %swap3A_463, %swap3A_464], %swap3A_467 {strides = array<i32>} : memref<2x128x64xf32, #tpu.memory_space<vmem>>, vector<1x1x16xf32>,
      %get3A_468 = arith.constant 0 : i32
      %get3A_469 = arith.index_cast %get3A_468 : i32 to index
      %get3A_470 = arith.index_cast %scan3A_443 : i32 to index
      %get3A_471 = arith.constant 16 : index
      %get3A_472 = tpu.vector_load %arg6[%get3A_469, %get3A_470, %get3A_471] {strides = array<i32>} : memref<2x128x128xf32, #tpu.memory_space<vmem>>, vector<1x1x16xf32>,
      %get3A_473 = vector.shape_cast %get3A_472 : vector<1x1x16xf32> to vector<16xf32>
      %sign3A_474 = tpu.bitcast %get3A_473 : vector<16xf32> -> vector<16xi32>
      %sign3A_475 = arith.constant -2147483648 : i32
      %sign3A_476 = vector.broadcast %sign3A_475 : i32 to vector<16xi32>
      %sign3A_477 = arith.andi %sign3A_474, %sign3A_476 : vector<16xi32>
      %sign3A_478 = arith.constant 1065353216 : i32
      %sign3A_479 = vector.broadcast %sign3A_478 : i32 to vector<16xi32>
      %sign3A_480 = arith.ori %sign3A_479, %sign3A_477 : vector<16xi32>
      %sign3A_481 = tpu.bitcast %sign3A_480 : vector<16xi32> -> vector<16xf32>
      %sign3A_482 = math.absf %get3A_473 : vector<16xf32>
      %sign3A_483 = arith.constant 0.000000e+00 : f32
      %sign3A_484 = vector.broadcast %sign3A_483 : f32 to vector<16xf32>
      %sign3A_485 = arith.cmpf ogt, %sign3A_482, %sign3A_484 : vector<16xf32>
      %sign3A_486 = arith.select %sign3A_485, %sign3A_481, %get3A_473 : vector<16xi1>, vector<16xf32>
      %swap3A_487 = arith.constant 0 : i32
      %swap3A_488 = arith.index_cast %swap3A_487 : i32 to index
      %swap3A_489 = arith.index_cast %scan3A_443 : i32 to index
      %swap3A_490 = arith.constant 16 : index
      %swap3A_491 = tpu.vector_load %arg7[%swap3A_488, %swap3A_489, %swap3A_490] {strides = array<i32>} : memref<2x128x64xf32, #tpu.memory_space<vmem>>, vector<1x1x16xf32>,
      %swap3A_492 = vector.shape_cast %swap3A_491 : vector<1x1x16xf32> to vector<16xf32>
      %swap3A_493 = vector.shape_cast %sign3A_486 : vector<16xf32> to vector<1x1x16xf32>
      tpu.vector_store %arg7[%swap3A_488, %swap3A_489, %swap3A_490], %swap3A_493 {strides = array<i32>} : memref<2x128x64xf32, #tpu.memory_space<vmem>>, vector<1x1x16xf32>,
      %get3A_494 = arith.constant 0 : i32
      %get3A_495 = arith.index_cast %get3A_494 : i32 to index
      %get3A_496 = arith.index_cast %scan3A_443 : i32 to index
      %get3A_497 = arith.constant 32 : index
      %get3A_498 = tpu.vector_load %arg6[%get3A_495, %get3A_496, %get3A_497] {strides = array<i32>} : memref<2x128x128xf32, #tpu.memory_space<vmem>>, vector<1x1x16xf32>,
      %get3A_499 = vector.shape_cast %get3A_498 : vector<1x1x16xf32> to vector<16xf32>
      %sign3A_500 = tpu.bitcast %get3A_499 : vector<16xf32> -> vector<16xi32>
      %sign3A_501 = arith.constant -2147483648 : i32
      %sign3A_502 = vector.broadcast %sign3A_501 : i32 to vector<16xi32>
      %sign3A_503 = arith.andi %sign3A_500, %sign3A_502 : vector<16xi32>
      %sign3A_504 = arith.constant 1065353216 : i32
      %sign3A_505 = vector.broadcast %sign3A_504 : i32 to vector<16xi32>
      %sign3A_506 = arith.ori %sign3A_505, %sign3A_503 : vector<16xi32>
      %sign3A_507 = tpu.bitcast %sign3A_506 : vector<16xi32> -> vector<16xf32>
      %sign3A_508 = math.absf %get3A_499 : vector<16xf32>
      %sign3A_509 = arith.constant 0.000000e+00 : f32
      %sign3A_510 = vector.broadcast %sign3A_509 : f32 to vector<16xf32>
      %sign3A_511 = arith.cmpf ogt, %sign3A_508, %sign3A_510 : vector<16xf32>
      %sign3A_512 = arith.select %sign3A_511, %sign3A_507, %get3A_499 : vector<16xi1>, vector<16xf32>
      %swap3A_513 = arith.constant 0 : i32
      %swap3A_514 = arith.index_cast %swap3A_513 : i32 to index
      %swap3A_515 = arith.index_cast %scan3A_443 : i32 to index
      %swap3A_516 = arith.constant 32 : index
      %swap3A_517 = tpu.vector_load %arg7[%swap3A_514, %swap3A_515, %swap3A_516] {strides = array<i32>} : memref<2x128x64xf32, #tpu.memory_space<vmem>>, vector<1x1x16xf32>,
      %swap3A_518 = vector.shape_cast %swap3A_517 : vector<1x1x16xf32> to vector<16xf32>
      %swap3A_519 = vector.shape_cast %sign3A_512 : vector<16xf32> to vector<1x1x16xf32>
      tpu.vector_store %arg7[%swap3A_514, %swap3A_515, %swap3A_516], %swap3A_519 {strides = array<i32>} : memref<2x128x64xf32, #tpu.memory_space<vmem>>, vector<1x1x16xf32>,
      %get3A_520 = arith.constant 0 : i32
      %get3A_521 = arith.index_cast %get3A_520 : i32 to index
      %get3A_522 = arith.index_cast %scan3A_443 : i32 to index
      %get3A_523 = arith.constant 48 : index
      %get3A_524 = tpu.vector_load %arg6[%get3A_521, %get3A_522, %get3A_523] {strides = array<i32>} : memref<2x128x128xf32, #tpu.memory_space<vmem>>, vector<1x1x16xf32>,
      %get3A_525 = vector.shape_cast %get3A_524 : vector<1x1x16xf32> to vector<16xf32>
      %sign3A_526 = tpu.bitcast %get3A_525 : vector<16xf32> -> vector<16xi32>
      %sign3A_527 = arith.constant -2147483648 : i32
      %sign3A_528 = vector.broadcast %sign3A_527 : i32 to vector<16xi32>
      %sign3A_529 = arith.andi %sign3A_526, %sign3A_528 : vector<16xi32>
      %sign3A_530 = arith.constant 1065353216 : i32
      %sign3A_531 = vector.broadcast %sign3A_530 : i32 to vector<16xi32>
      %sign3A_532 = arith.ori %sign3A_531, %sign3A_529 : vector<16xi32>
      %sign3A_533 = tpu.bitcast %sign3A_532 : vector<16xi32> -> vector<16xf32>
      %sign3A_534 = math.absf %get3A_525 : vector<16xf32>
      %sign3A_535 = arith.constant 0.000000e+00 : f32
      %sign3A_536 = vector.broadcast %sign3A_535 : f32 to vector<16xf32>
      %sign3A_537 = arith.cmpf ogt, %sign3A_534, %sign3A_536 : vector<16xf32>
      %sign3A_538 = arith.select %sign3A_537, %sign3A_533, %get3A_525 : vector<16xi1>, vector<16xf32>
      %swap3A_539 = arith.constant 0 : i32
      %swap3A_540 = arith.index_cast %swap3A_539 : i32 to index
      %swap3A_541 = arith.index_cast %scan3A_443 : i32 to index
      %swap3A_542 = arith.constant 48 : index
      %swap3A_543 = tpu.vector_load %arg7[%swap3A_540, %swap3A_541, %swap3A_542] {strides = array<i32>} : memref<2x128x64xf32, #tpu.memory_space<vmem>>, vector<1x1x16xf32>,
      %swap3A_544 = vector.shape_cast %swap3A_543 : vector<1x1x16xf32> to vector<16xf32>
      %swap3A_545 = vector.shape_cast %sign3A_538 : vector<16xf32> to vector<1x1x16xf32>
      tpu.vector_store %arg7[%swap3A_540, %swap3A_541, %swap3A_542], %swap3A_545 {strides = array<i32>} : memref<2x128x64xf32, #tpu.memory_space<vmem>>, vector<1x1x16xf32>,
      %scan3A_546 = arith.constant 0 : i32
      scf.yield %scan3A_546 : i32
    }
    %scan3A_125 = arith.constant 128 : i32
    %add3A_126 = arith.constant 0 : i32
    %add3A_127 = arith.addi %mul3A_2, %add3A_126 : i32
    %dma_start3A_128 = arith.constant 0 : i32
    %dma_start3A_129 = arith.constant 0 : i32
    %dma_start3A_130 = arith.constant 0 : i32
    %dma_start3A_131 = arith.constant 0 : i32
    %dma_start3A_132 = tpu.memref_slice %arg7[%dma_start3A_128, %dma_start3A_130, %dma_start3A_131] : memref<2x128x64xf32, #tpu.memory_space<vmem>> -> memref<1x128x64xf32, #tpu.memory_space<vmem>>
    %dma_start3A_133 = tpu.memref_squeeze %dma_start3A_132 : memref<1x128x64xf32, #tpu.memory_space<vmem>> -> memref<128x64xf32, #tpu.memory_space<vmem>>
    %dma_start3A_134 = arith.constant 0 : i32
    %dma_start3A_135 = tpu.memref_slice %arg4[%add3A_127, %dma_start3A_134] : memref<819200x64xf32, #tpu.memory_space<hbm>> -> memref<128x64xf32, #tpu.memory_space<hbm>>
    %dma_start3A_136 = tpu.memref_slice %arg10[%dma_start3A_129] : memref<2x!tpu.dma_semaphore, #tpu.memory_space<semaphore_mem>> -> memref<1x!tpu.dma_semaphore, #tpu.memory_space<semaphore_mem>>
    %dma_start3A_137 = tpu.memref_squeeze %dma_start3A_136 : memref<1x!tpu.dma_semaphore, #tpu.memory_space<semaphore_mem>> -> memref<!tpu.dma_semaphore, #tpu.memory_space<semaphore_mem>>
    %dma_start3A_138 = arith.constant 0 : i32
    %dma_start3A_139 = tpu.memref_slice %arg4[%add3A_127, %dma_start3A_138] : memref<819200x64xf32, #tpu.memory_space<hbm>> -> memref<128x64xf32, #tpu.memory_space<hbm>>
    %dma_start3A_140 = arith.constant 0 : i32
    %dma_start3A_141 = arith.constant 0 : i32
    %dma_start3A_142 = tpu.memref_slice %arg7[%dma_start3A_128, %dma_start3A_140, %dma_start3A_141] : memref<2x128x64xf32, #tpu.memory_space<vmem>> -> memref<1x128x64xf32, #tpu.memory_space<vmem>>
    %dma_start3A_143 = tpu.memref_squeeze %dma_start3A_142 : memref<1x128x64xf32, #tpu.memory_space<vmem>> -> memref<128x64xf32, #tpu.memory_space<vmem>>
    tpu.enqueue_dma source(%dma_start3A_143 : memref<128x64xf32, #tpu.memory_space<vmem>>) target(%dma_start3A_139 : memref<128x64xf32, #tpu.memory_space<hbm>>) target_semaphore(%dma_start3A_137 : memref<!tpu.dma_semaphore, #tpu.memory_space<semaphore_mem>>)
    %add3A_144 = arith.constant 256 : i32
    %add3A_145 = arith.addi %mul3A_2, %add3A_144 : i32
    %dma_start3A_146 = arith.constant 0 : i32
    %dma_start3A_147 = arith.constant 0 : i32
    %dma_start3A_148 = arith.constant 0 : i32
    %dma_start3A_149 = tpu.memref_slice %arg5[%dma_start3A_146, %dma_start3A_148] : memref<2x256xi32, #tpu.memory_space<vmem>> -> memref<1x256xi32, #tpu.memory_space<vmem>>
    %dma_start3A_150 = tpu.memref_squeeze %dma_start3A_149 : memref<1x256xi32, #tpu.memory_space<vmem>> -> memref<256xi32, #tpu.memory_space<vmem>>
    %dma_start3A_151 = arith.constant 0 : i32
    %dma_start3A_152 = tpu.memref_slice %dma_start3A_150[%dma_start3A_151] : memref<256xi32, #tpu.memory_space<vmem>> -> memref<128xi32, #tpu.memory_space<vmem>>
    %dma_start3A_153 = tpu.memref_slice %arg2[%add3A_145] : memref<819200xi32, #tpu.memory_space<hbm>> -> memref<128xi32, #tpu.memory_space<hbm>>
    %dma_start3A_154 = tpu.memref_slice %arg8[%dma_start3A_147] : memref<2x!tpu.dma_semaphore, #tpu.memory_space<semaphore_mem>> -> memref<1x!tpu.dma_semaphore, #tpu.memory_space<semaphore_mem>>
    %dma_start3A_155 = tpu.memref_squeeze %dma_start3A_154 : memref<1x!tpu.dma_semaphore, #tpu.memory_space<semaphore_mem>> -> memref<!tpu.dma_semaphore, #tpu.memory_space<semaphore_mem>>
    %dma_start3A_156 = arith.constant 0 : i32
    %dma_start3A_157 = tpu.memref_slice %arg5[%dma_start3A_146, %dma_start3A_156] : memref<2x256xi32, #tpu.memory_space<vmem>> -> memref<1x256xi32, #tpu.memory_space<vmem>>
    %dma_start3A_158 = tpu.memref_squeeze %dma_start3A_157 : memref<1x256xi32, #tpu.memory_space<vmem>> -> memref<256xi32, #tpu.memory_space<vmem>>
    %dma_start3A_159 = arith.constant 0 : i32
    %dma_start3A_160 = tpu.memref_slice %dma_start3A_158[%dma_start3A_159] : memref<256xi32, #tpu.memory_space<vmem>> -> memref<128xi32, #tpu.memory_space<vmem>>
    %dma_start3A_161 = tpu.memref_slice %arg2[%add3A_145] : memref<819200xi32, #tpu.memory_space<hbm>> -> memref<128xi32, #tpu.memory_space<hbm>>
    tpu.enqueue_dma source(%dma_start3A_161 : memref<128xi32, #tpu.memory_space<hbm>>) target(%dma_start3A_160 : memref<128xi32, #tpu.memory_space<vmem>>) target_semaphore(%dma_start3A_155 : memref<!tpu.dma_semaphore, #tpu.memory_space<semaphore_mem>>)
    %dma_wait3A_162 = arith.constant 0 : i32
    %dma_wait3A_163 = arith.constant 0 : i32
    %dma_wait3A_164 = arith.constant 0 : i32
    %dma_wait3A_165 = tpu.memref_slice %arg5[%dma_wait3A_162, %dma_wait3A_164] : memref<2x256xi32, #tpu.memory_space<vmem>> -> memref<1x256xi32, #tpu.memory_space<vmem>>
    %dma_wait3A_166 = tpu.memref_squeeze %dma_wait3A_165 : memref<1x256xi32, #tpu.memory_space<vmem>> -> memref<256xi32, #tpu.memory_space<vmem>>
    %dma_wait3A_167 = arith.constant 0 : i32
    %dma_wait3A_168 = tpu.memref_slice %dma_wait3A_166[%dma_wait3A_167] : memref<256xi32, #tpu.memory_space<vmem>> -> memref<128xi32, #tpu.memory_space<vmem>>
    %dma_wait3A_169 = tpu.memref_slice %arg2[%mul3A_2] : memref<819200xi32, #tpu.memory_space<hbm>> -> memref<128xi32, #tpu.memory_space<hbm>>
    %dma_wait3A_170 = tpu.memref_slice %arg8[%dma_wait3A_163] : memref<2x!tpu.dma_semaphore, #tpu.memory_space<semaphore_mem>> -> memref<1x!tpu.dma_semaphore, #tpu.memory_space<semaphore_mem>>
    %dma_wait3A_171 = tpu.memref_squeeze %dma_wait3A_170 : memref<1x!tpu.dma_semaphore, #tpu.memory_space<semaphore_mem>> -> memref<!tpu.dma_semaphore, #tpu.memory_space<semaphore_mem>>
    %dma_wait3A_172 = arith.constant 0 : i32
    %dma_wait3A_173 = tpu.memref_slice %arg5[%dma_wait3A_162, %dma_wait3A_172] : memref<2x256xi32, #tpu.memory_space<vmem>> -> memref<1x256xi32, #tpu.memory_space<vmem>>
    %dma_wait3A_174 = tpu.memref_squeeze %dma_wait3A_173 : memref<1x256xi32, #tpu.memory_space<vmem>> -> memref<256xi32, #tpu.memory_space<vmem>>
    %dma_wait3A_175 = arith.constant 0 : i32
    %dma_wait3A_176 = tpu.memref_slice %dma_wait3A_174[%dma_wait3A_175] : memref<256xi32, #tpu.memory_space<vmem>> -> memref<128xi32, #tpu.memory_space<vmem>>
    %dma_wait3A_177 = tpu.memref_slice %arg2[%mul3A_2] : memref<819200xi32, #tpu.memory_space<hbm>> -> memref<128xi32, #tpu.memory_space<hbm>>
    tpu.wait_dma2 semaphore(%dma_wait3A_171 : memref<!tpu.dma_semaphore, #tpu.memory_space<semaphore_mem>>) src(%dma_wait3A_177 : memref<128xi32, #tpu.memory_space<hbm>>) dst(%dma_wait3A_176 : memref<128xi32, #tpu.memory_space<vmem>>)
    %dma_start3A_178 = arith.constant 0 : i32
    %dma_start3A_179 = arith.constant 0 : i32
    %dma_start3A_180 = arith.constant 0 : i32
    %dma_start3A_181 = arith.constant 0 : i32
    %dma_start3A_182 = arith.constant 0 : i32
    %dma_start3A_183 = tpu.memref_slice %arg6[%dma_start3A_179, %dma_start3A_181, %dma_start3A_182] : memref<2x128x128xf32, #tpu.memory_space<vmem>> -> memref<1x128x128xf32, #tpu.memory_space<vmem>>
    %dma_start3A_184 = tpu.memref_squeeze %dma_start3A_183 : memref<1x128x128xf32, #tpu.memory_space<vmem>> -> memref<128x128xf32, #tpu.memory_space<vmem>>
    %dma_start3A_185 = arith.constant 0 : i32
    %dma_start3A_186 = tpu.memref_slice %arg5[%dma_start3A_178, %dma_start3A_185] : memref<2x256xi32, #tpu.memory_space<vmem>> -> memref<1x256xi32, #tpu.memory_space<vmem>>
    %dma_start3A_187 = tpu.memref_squeeze %dma_start3A_186 : memref<1x256xi32, #tpu.memory_space<vmem>> -> memref<256xi32, #tpu.memory_space<vmem>>
    %dma_start3A_188 = arith.constant 0 : i32
    %dma_start3A_189 = tpu.memref_slice %dma_start3A_187[%dma_start3A_188] : memref<256xi32, #tpu.memory_space<vmem>> -> memref<128xi32, #tpu.memory_space<vmem>>
    %dma_start3A_190 = arith.constant 0 : i32
    %dma_start3A_191 = arith.constant 0 : i32
    %dma_start3A_192 = tpu.memref_slice %arg3[%dma_start3A_190, %dma_start3A_191] : memref<1000000x128xf32, #tpu.memory_space<hbm>> -> memref<1000000x128xf32, #tpu.memory_space<hbm>>
    %dma_start3A_193 = tpu.memref_slice %arg9[%dma_start3A_180] : memref<2x!tpu.dma_semaphore, #tpu.memory_space<semaphore_mem>> -> memref<1x!tpu.dma_semaphore, #tpu.memory_space<semaphore_mem>>
    %dma_start3A_194 = tpu.memref_squeeze %dma_start3A_193 : memref<1x!tpu.dma_semaphore, #tpu.memory_space<semaphore_mem>> -> memref<!tpu.dma_semaphore, #tpu.memory_space<semaphore_mem>>
    tpu.enqueue_indirect_dma source(%dma_start3A_192 : memref<1000000x128xf32, #tpu.memory_space<hbm>>) target(%dma_start3A_184 : memref<128x128xf32, #tpu.memory_space<vmem>>) offsets(%dma_start3A_189 : memref<128xi32, #tpu.memory_space<vmem>>) semaphore(%dma_start3A_194 : memref<!tpu.dma_semaphore, #tpu.memory_space<semaphore_mem>>)
    %dma_wait3A_195 = arith.constant 1 : i32
    %dma_wait3A_196 = arith.constant 1 : i32
    %dma_wait3A_197 = arith.constant 1 : i32
    %dma_wait3A_198 = arith.constant 0 : i32
    %dma_wait3A_199 = arith.constant 0 : i32
    %dma_wait3A_200 = tpu.memref_slice %arg6[%dma_wait3A_196, %dma_wait3A_198, %dma_wait3A_199] : memref<2x128x128xf32, #tpu.memory_space<vmem>> -> memref<1x128x128xf32, #tpu.memory_space<vmem>>
    %dma_wait3A_201 = tpu.memref_squeeze %dma_wait3A_200 : memref<1x128x128xf32, #tpu.memory_space<vmem>> -> memref<128x128xf32, #tpu.memory_space<vmem>>
    %dma_wait3A_202 = arith.constant 0 : i32
    %dma_wait3A_203 = tpu.memref_slice %arg5[%dma_wait3A_195, %dma_wait3A_202] : memref<2x256xi32, #tpu.memory_space<vmem>> -> memref<1x256xi32, #tpu.memory_space<vmem>>
    %dma_wait3A_204 = tpu.memref_squeeze %dma_wait3A_203 : memref<1x256xi32, #tpu.memory_space<vmem>> -> memref<256xi32, #tpu.memory_space<vmem>>
    %dma_wait3A_205 = arith.constant 0 : i32
    %dma_wait3A_206 = tpu.memref_slice %dma_wait3A_204[%dma_wait3A_205] : memref<256xi32, #tpu.memory_space<vmem>> -> memref<128xi32, #tpu.memory_space<vmem>>
    %dma_wait3A_207 = arith.constant 0 : i32
    %dma_wait3A_208 = arith.constant 0 : i32
    %dma_wait3A_209 = tpu.memref_slice %arg3[%dma_wait3A_207, %dma_wait3A_208] : memref<1000000x128xf32, #tpu.memory_space<hbm>> -> memref<1000000x128xf32, #tpu.memory_space<hbm>>
    %dma_wait3A_210 = tpu.memref_slice %arg9[%dma_wait3A_197] : memref<2x!tpu.dma_semaphore, #tpu.memory_space<semaphore_mem>> -> memref<1x!tpu.dma_semaphore, #tpu.memory_space<semaphore_mem>>
    %dma_wait3A_211 = tpu.memref_squeeze %dma_wait3A_210 : memref<1x!tpu.dma_semaphore, #tpu.memory_space<semaphore_mem>> -> memref<!tpu.dma_semaphore, #tpu.memory_space<semaphore_mem>>
    tpu.wait_indirect_dma semaphore(%dma_wait3A_211 : memref<!tpu.dma_semaphore, #tpu.memory_space<semaphore_mem>>) src(%dma_wait3A_209 : memref<1000000x128xf32, #tpu.memory_space<hbm>>) dst(%dma_wait3A_201 : memref<128x128xf32, #tpu.memory_space<vmem>>)
    %scan3A_212 = arith.constant 0 : i32
    %scan3A_213 = arith.constant 0 : i32
    %scan3A_214 = arith.constant 128 : i32
    %scan3A_215 = arith.addi %scan3A_213, %scan3A_214 : i32
    %scan3A_216 = arith.constant 1 : i32
    %scan3A_217 = scf.for %scan3A_443 = %scan3A_213 to %scan3A_215 step %scan3A_216 iter_args(%scan3A_444 = %scan3A_212) -> (i32)  : i32 {
      %get3A = arith.constant 1 : i32
      %get3A_445 = arith.index_cast %get3A : i32 to index
      %get3A_446 = arith.index_cast %scan3A_443 : i32 to index
      %get3A_447 = arith.constant 0 : index
      %get3A_448 = tpu.vector_load %arg6[%get3A_445, %get3A_446, %get3A_447] {strides = array<i32>} : memref<2x128x128xf32, #tpu.memory_space<vmem>>, vector<1x1x16xf32>,
      %get3A_449 = vector.shape_cast %get3A_448 : vector<1x1x16xf32> to vector<16xf32>
      %sign3A = tpu.bitcast %get3A_449 : vector<16xf32> -> vector<16xi32>
      %sign3A_450 = arith.constant -2147483648 : i32
      %sign3A_451 = vector.broadcast %sign3A_450 : i32 to vector<16xi32>
      %sign3A_452 = arith.andi %sign3A, %sign3A_451 : vector<16xi32>
      %sign3A_453 = arith.constant 1065353216 : i32
      %sign3A_454 = vector.broadcast %sign3A_453 : i32 to vector<16xi32>
      %sign3A_455 = arith.ori %sign3A_454, %sign3A_452 : vector<16xi32>
      %sign3A_456 = tpu.bitcast %sign3A_455 : vector<16xi32> -> vector<16xf32>
      %sign3A_457 = math.absf %get3A_449 : vector<16xf32>
      %sign3A_458 = arith.constant 0.000000e+00 : f32
      %sign3A_459 = vector.broadcast %sign3A_458 : f32 to vector<16xf32>
      %sign3A_460 = arith.cmpf ogt, %sign3A_457, %sign3A_459 : vector<16xf32>
      %sign3A_461 = arith.select %sign3A_460, %sign3A_456, %get3A_449 : vector<16xi1>, vector<16xf32>
      %swap3A = arith.constant 1 : i32
      %swap3A_462 = arith.index_cast %swap3A : i32 to index
      %swap3A_463 = arith.index_cast %scan3A_443 : i32 to index
      %swap3A_464 = arith.constant 0 : index
      %swap3A_465 = tpu.vector_load %arg7[%swap3A_462, %swap3A_463, %swap3A_464] {strides = array<i32>} : memref<2x128x64xf32, #tpu.memory_space<vmem>>, vector<1x1x16xf32>,
      %swap3A_466 = vector.shape_cast %swap3A_465 : vector<1x1x16xf32> to vector<16xf32>
      %swap3A_467 = vector.shape_cast %sign3A_461 : vector<16xf32> to vector<1x1x16xf32>
      tpu.vector_store %arg7[%swap3A_462, %swap3A_463, %swap3A_464], %swap3A_467 {strides = array<i32>} : memref<2x128x64xf32, #tpu.memory_space<vmem>>, vector<1x1x16xf32>,
      %get3A_468 = arith.constant 1 : i32
      %get3A_469 = arith.index_cast %get3A_468 : i32 to index
      %get3A_470 = arith.index_cast %scan3A_443 : i32 to index
      %get3A_471 = arith.constant 16 : index
      %get3A_472 = tpu.vector_load %arg6[%get3A_469, %get3A_470, %get3A_471] {strides = array<i32>} : memref<2x128x128xf32, #tpu.memory_space<vmem>>, vector<1x1x16xf32>,
      %get3A_473 = vector.shape_cast %get3A_472 : vector<1x1x16xf32> to vector<16xf32>
      %sign3A_474 = tpu.bitcast %get3A_473 : vector<16xf32> -> vector<16xi32>
      %sign3A_475 = arith.constant -2147483648 : i32
      %sign3A_476 = vector.broadcast %sign3A_475 : i32 to vector<16xi32>
      %sign3A_477 = arith.andi %sign3A_474, %sign3A_476 : vector<16xi32>
      %sign3A_478 = arith.constant 1065353216 : i32
      %sign3A_479 = vector.broadcast %sign3A_478 : i32 to vector<16xi32>
      %sign3A_480 = arith.ori %sign3A_479, %sign3A_477 : vector<16xi32>
      %sign3A_481 = tpu.bitcast %sign3A_480 : vector<16xi32> -> vector<16xf32>
      %sign3A_482 = math.absf %get3A_473 : vector<16xf32>
      %sign3A_483 = arith.constant 0.000000e+00 : f32
      %sign3A_484 = vector.broadcast %sign3A_483 : f32 to vector<16xf32>
      %sign3A_485 = arith.cmpf ogt, %sign3A_482, %sign3A_484 : vector<16xf32>
      %sign3A_486 = arith.select %sign3A_485, %sign3A_481, %get3A_473 : vector<16xi1>, vector<16xf32>
      %swap3A_487 = arith.constant 1 : i32
      %swap3A_488 = arith.index_cast %swap3A_487 : i32 to index
      %swap3A_489 = arith.index_cast %scan3A_443 : i32 to index
      %swap3A_490 = arith.constant 16 : index
      %swap3A_491 = tpu.vector_load %arg7[%swap3A_488, %swap3A_489, %swap3A_490] {strides = array<i32>} : memref<2x128x64xf32, #tpu.memory_space<vmem>>, vector<1x1x16xf32>,
      %swap3A_492 = vector.shape_cast %swap3A_491 : vector<1x1x16xf32> to vector<16xf32>
      %swap3A_493 = vector.shape_cast %sign3A_486 : vector<16xf32> to vector<1x1x16xf32>
      tpu.vector_store %arg7[%swap3A_488, %swap3A_489, %swap3A_490], %swap3A_493 {strides = array<i32>} : memref<2x128x64xf32, #tpu.memory_space<vmem>>, vector<1x1x16xf32>,
      %get3A_494 = arith.constant 1 : i32
      %get3A_495 = arith.index_cast %get3A_494 : i32 to index
      %get3A_496 = arith.index_cast %scan3A_443 : i32 to index
      %get3A_497 = arith.constant 32 : index
      %get3A_498 = tpu.vector_load %arg6[%get3A_495, %get3A_496, %get3A_497] {strides = array<i32>} : memref<2x128x128xf32, #tpu.memory_space<vmem>>, vector<1x1x16xf32>,
      %get3A_499 = vector.shape_cast %get3A_498 : vector<1x1x16xf32> to vector<16xf32>
      %sign3A_500 = tpu.bitcast %get3A_499 : vector<16xf32> -> vector<16xi32>
      %sign3A_501 = arith.constant -2147483648 : i32
      %sign3A_502 = vector.broadcast %sign3A_501 : i32 to vector<16xi32>
      %sign3A_503 = arith.andi %sign3A_500, %sign3A_502 : vector<16xi32>
      %sign3A_504 = arith.constant 1065353216 : i32
      %sign3A_505 = vector.broadcast %sign3A_504 : i32 to vector<16xi32>
      %sign3A_506 = arith.ori %sign3A_505, %sign3A_503 : vector<16xi32>
      %sign3A_507 = tpu.bitcast %sign3A_506 : vector<16xi32> -> vector<16xf32>
      %sign3A_508 = math.absf %get3A_499 : vector<16xf32>
      %sign3A_509 = arith.constant 0.000000e+00 : f32
      %sign3A_510 = vector.broadcast %sign3A_509 : f32 to vector<16xf32>
      %sign3A_511 = arith.cmpf ogt, %sign3A_508, %sign3A_510 : vector<16xf32>
      %sign3A_512 = arith.select %sign3A_511, %sign3A_507, %get3A_499 : vector<16xi1>, vector<16xf32>
      %swap3A_513 = arith.constant 1 : i32
      %swap3A_514 = arith.index_cast %swap3A_513 : i32 to index
      %swap3A_515 = arith.index_cast %scan3A_443 : i32 to index
      %swap3A_516 = arith.constant 32 : index
      %swap3A_517 = tpu.vector_load %arg7[%swap3A_514, %swap3A_515, %swap3A_516] {strides = array<i32>} : memref<2x128x64xf32, #tpu.memory_space<vmem>>, vector<1x1x16xf32>,
      %swap3A_518 = vector.shape_cast %swap3A_517 : vector<1x1x16xf32> to vector<16xf32>
      %swap3A_519 = vector.shape_cast %sign3A_512 : vector<16xf32> to vector<1x1x16xf32>
      tpu.vector_store %arg7[%swap3A_514, %swap3A_515, %swap3A_516], %swap3A_519 {strides = array<i32>} : memref<2x128x64xf32, #tpu.memory_space<vmem>>, vector<1x1x16xf32>,
      %get3A_520 = arith.constant 1 : i32
      %get3A_521 = arith.index_cast %get3A_520 : i32 to index
      %get3A_522 = arith.index_cast %scan3A_443 : i32 to index
      %get3A_523 = arith.constant 48 : index
      %get3A_524 = tpu.vector_load %arg6[%get3A_521, %get3A_522, %get3A_523] {strides = array<i32>} : memref<2x128x128xf32, #tpu.memory_space<vmem>>, vector<1x1x16xf32>,
      %get3A_525 = vector.shape_cast %get3A_524 : vector<1x1x16xf32> to vector<16xf32>
      %sign3A_526 = tpu.bitcast %get3A_525 : vector<16xf32> -> vector<16xi32>
      %sign3A_527 = arith.constant -2147483648 : i32
      %sign3A_528 = vector.broadcast %sign3A_527 : i32 to vector<16xi32>
      %sign3A_529 = arith.andi %sign3A_526, %sign3A_528 : vector<16xi32>
      %sign3A_530 = arith.constant 1065353216 : i32
      %sign3A_531 = vector.broadcast %sign3A_530 : i32 to vector<16xi32>
      %sign3A_532 = arith.ori %sign3A_531, %sign3A_529 : vector<16xi32>
      %sign3A_533 = tpu.bitcast %sign3A_532 : vector<16xi32> -> vector<16xf32>
      %sign3A_534 = math.absf %get3A_525 : vector<16xf32>
      %sign3A_535 = arith.constant 0.000000e+00 : f32
      %sign3A_536 = vector.broadcast %sign3A_535 : f32 to vector<16xf32>
      %sign3A_537 = arith.cmpf ogt, %sign3A_534, %sign3A_536 : vector<16xf32>
      %sign3A_538 = arith.select %sign3A_537, %sign3A_533, %get3A_525 : vector<16xi1>, vector<16xf32>
      %swap3A_539 = arith.constant 1 : i32
      %swap3A_540 = arith.index_cast %swap3A_539 : i32 to index
      %swap3A_541 = arith.index_cast %scan3A_443 : i32 to index
      %swap3A_542 = arith.constant 48 : index
      %swap3A_543 = tpu.vector_load %arg7[%swap3A_540, %swap3A_541, %swap3A_542] {strides = array<i32>} : memref<2x128x64xf32, #tpu.memory_space<vmem>>, vector<1x1x16xf32>,
      %swap3A_544 = vector.shape_cast %swap3A_543 : vector<1x1x16xf32> to vector<16xf32>
      %swap3A_545 = vector.shape_cast %sign3A_538 : vector<16xf32> to vector<1x1x16xf32>
      tpu.vector_store %arg7[%swap3A_540, %swap3A_541, %swap3A_542], %swap3A_545 {strides = array<i32>} : memref<2x128x64xf32, #tpu.memory_space<vmem>>, vector<1x1x16xf32>,
      %scan3A_546 = arith.constant 0 : i32
      scf.yield %scan3A_546 : i32
    }
    %scan3A_218 = arith.constant 128 : i32
    %add3A_219 = arith.constant 128 : i32
    %add3A_220 = arith.addi %mul3A_2, %add3A_219 : i32
    %dma_start3A_221 = arith.constant 1 : i32
    %dma_start3A_222 = arith.constant 1 : i32
    %dma_start3A_223 = arith.constant 0 : i32
    %dma_start3A_224 = arith.constant 0 : i32
    %dma_start3A_225 = tpu.memref_slice %arg7[%dma_start3A_221, %dma_start3A_223, %dma_start3A_224] : memref<2x128x64xf32, #tpu.memory_space<vmem>> -> memref<1x128x64xf32, #tpu.memory_space<vmem>>
    %dma_start3A_226 = tpu.memref_squeeze %dma_start3A_225 : memref<1x128x64xf32, #tpu.memory_space<vmem>> -> memref<128x64xf32, #tpu.memory_space<vmem>>
    %dma_start3A_227 = arith.constant 0 : i32
    %dma_start3A_228 = tpu.memref_slice %arg4[%add3A_220, %dma_start3A_227] : memref<819200x64xf32, #tpu.memory_space<hbm>> -> memref<128x64xf32, #tpu.memory_space<hbm>>
    %dma_start3A_229 = tpu.memref_slice %arg10[%dma_start3A_222] : memref<2x!tpu.dma_semaphore, #tpu.memory_space<semaphore_mem>> -> memref<1x!tpu.dma_semaphore, #tpu.memory_space<semaphore_mem>>
    %dma_start3A_230 = tpu.memref_squeeze %dma_start3A_229 : memref<1x!tpu.dma_semaphore, #tpu.memory_space<semaphore_mem>> -> memref<!tpu.dma_semaphore, #tpu.memory_space<semaphore_mem>>
    %dma_start3A_231 = arith.constant 0 : i32
    %dma_start3A_232 = tpu.memref_slice %arg4[%add3A_220, %dma_start3A_231] : memref<819200x64xf32, #tpu.memory_space<hbm>> -> memref<128x64xf32, #tpu.memory_space<hbm>>
    %dma_start3A_233 = arith.constant 0 : i32
    %dma_start3A_234 = arith.constant 0 : i32
    %dma_start3A_235 = tpu.memref_slice %arg7[%dma_start3A_221, %dma_start3A_233, %dma_start3A_234] : memref<2x128x64xf32, #tpu.memory_space<vmem>> -> memref<1x128x64xf32, #tpu.memory_space<vmem>>
    %dma_start3A_236 = tpu.memref_squeeze %dma_start3A_235 : memref<1x128x64xf32, #tpu.memory_space<vmem>> -> memref<128x64xf32, #tpu.memory_space<vmem>>
    tpu.enqueue_dma source(%dma_start3A_236 : memref<128x64xf32, #tpu.memory_space<vmem>>) target(%dma_start3A_232 : memref<128x64xf32, #tpu.memory_space<hbm>>) target_semaphore(%dma_start3A_230 : memref<!tpu.dma_semaphore, #tpu.memory_space<semaphore_mem>>)
    %add3A_237 = arith.constant 384 : i32
    %add3A_238 = arith.addi %mul3A_2, %add3A_237 : i32
    %dma_start3A_239 = arith.constant 1 : i32
    %dma_start3A_240 = arith.constant 1 : i32
    %dma_start3A_241 = arith.constant 0 : i32
    %dma_start3A_242 = tpu.memref_slice %arg5[%dma_start3A_239, %dma_start3A_241] : memref<2x256xi32, #tpu.memory_space<vmem>> -> memref<1x256xi32, #tpu.memory_space<vmem>>
    %dma_start3A_243 = tpu.memref_squeeze %dma_start3A_242 : memref<1x256xi32, #tpu.memory_space<vmem>> -> memref<256xi32, #tpu.memory_space<vmem>>
    %dma_start3A_244 = arith.constant 0 : i32
    %dma_start3A_245 = tpu.memref_slice %dma_start3A_243[%dma_start3A_244] : memref<256xi32, #tpu.memory_space<vmem>> -> memref<128xi32, #tpu.memory_space<vmem>>
    %dma_start3A_246 = tpu.memref_slice %arg2[%add3A_238] : memref<819200xi32, #tpu.memory_space<hbm>> -> memref<128xi32, #tpu.memory_space<hbm>>
    %dma_start3A_247 = tpu.memref_slice %arg8[%dma_start3A_240] : memref<2x!tpu.dma_semaphore, #tpu.memory_space<semaphore_mem>> -> memref<1x!tpu.dma_semaphore, #tpu.memory_space<semaphore_mem>>
    %dma_start3A_248 = tpu.memref_squeeze %dma_start3A_247 : memref<1x!tpu.dma_semaphore, #tpu.memory_space<semaphore_mem>> -> memref<!tpu.dma_semaphore, #tpu.memory_space<semaphore_mem>>
    %dma_start3A_249 = arith.constant 0 : i32
    %dma_start3A_250 = tpu.memref_slice %arg5[%dma_start3A_239, %dma_start3A_249] : memref<2x256xi32, #tpu.memory_space<vmem>> -> memref<1x256xi32, #tpu.memory_space<vmem>>
    %dma_start3A_251 = tpu.memref_squeeze %dma_start3A_250 : memref<1x256xi32, #tpu.memory_space<vmem>> -> memref<256xi32, #tpu.memory_space<vmem>>
    %dma_start3A_252 = arith.constant 0 : i32
    %dma_start3A_253 = tpu.memref_slice %dma_start3A_251[%dma_start3A_252] : memref<256xi32, #tpu.memory_space<vmem>> -> memref<128xi32, #tpu.memory_space<vmem>>
    %dma_start3A_254 = tpu.memref_slice %arg2[%add3A_238] : memref<819200xi32, #tpu.memory_space<hbm>> -> memref<128xi32, #tpu.memory_space<hbm>>
    tpu.enqueue_dma source(%dma_start3A_254 : memref<128xi32, #tpu.memory_space<hbm>>) target(%dma_start3A_253 : memref<128xi32, #tpu.memory_space<vmem>>) target_semaphore(%dma_start3A_248 : memref<!tpu.dma_semaphore, #tpu.memory_space<semaphore_mem>>)
    %scan3A_255 = arith.constant 0 : i32
    %scan3A_256 = arith.constant 1 : i32
    %scan3A_257 = arith.constant 98 : i32
    %scan3A_258 = arith.addi %scan3A_256, %scan3A_257 : i32
    %scan3A_259 = arith.constant 1 : i32
    %scan3A_260 = scf.for %scan3A_443 = %scan3A_256 to %scan3A_258 step %scan3A_259 iter_args(%scan3A_444 = %scan3A_255) -> (i32)  : i32 {
      %mul3A_445 = arith.constant 2 : i32
      %mul3A_446 = arith.muli %scan3A_443, %mul3A_445 : i32
      %add3A_447 = arith.constant 1 : i32
      %add3A_448 = arith.addi %mul3A_446, %add3A_447 : i32
      %jit3A = arith.constant 2 : i32
      %eq3A = arith.constant 0 : i32
      %eq3A_449 = arith.cmpi eq, %jit3A, %eq3A : i32
      %jit3A_450 = arith.constant 1 : i32
      %select_n3A = arith.select %eq3A_449, %jit3A_450, %jit3A : i32
      %rem3A = arith.remsi %add3A_448, %select_n3A : i32
      %ne3A = arith.constant 0 : i32
      %ne3A_451 = arith.cmpi ne, %rem3A, %ne3A : i32
      %lt3A = arith.constant 0 : i32
      %lt3A_452 = arith.cmpi slt, %rem3A, %lt3A : i32
      %lt3A_453 = arith.constant 0 : i32
      %lt3A_454 = arith.cmpi slt, %select_n3A, %lt3A_453 : i32
      %ne3A_455 = arith.xori %lt3A_452, %lt3A_454 : i1
      %and3A = arith.andi %ne3A_455, %ne3A_451 : i1
      %add3A_456 = arith.addi %rem3A, %select_n3A : i32
      %select_n3A_457 = arith.select %and3A, %add3A_456, %rem3A : i32
      %dma_wait3A_458 = arith.constant 0 : i32
      %dma_wait3A_459 = tpu.memref_slice %arg5[%select_n3A_457, %dma_wait3A_458] : memref<2x256xi32, #tpu.memory_space<vmem>> -> memref<1x256xi32, #tpu.memory_space<vmem>>
      %dma_wait3A_460 = tpu.memref_squeeze %dma_wait3A_459 : memref<1x256xi32, #tpu.memory_space<vmem>> -> memref<256xi32, #tpu.memory_space<vmem>>
      %dma_wait3A_461 = arith.constant 0 : i32
      %dma_wait3A_462 = tpu.memref_slice %dma_wait3A_460[%dma_wait3A_461] : memref<256xi32, #tpu.memory_space<vmem>> -> memref<128xi32, #tpu.memory_space<vmem>>
      %dma_wait3A_463 = tpu.memref_slice %arg2[%mul3A_2] : memref<819200xi32, #tpu.memory_space<hbm>> -> memref<128xi32, #tpu.memory_space<hbm>>
      %dma_wait3A_464 = tpu.memref_slice %arg8[%select_n3A_457] : memref<2x!tpu.dma_semaphore, #tpu.memory_space<semaphore_mem>> -> memref<1x!tpu.dma_semaphore, #tpu.memory_space<semaphore_mem>>
      %dma_wait3A_465 = tpu.memref_squeeze %dma_wait3A_464 : memref<1x!tpu.dma_semaphore, #tpu.memory_space<semaphore_mem>> -> memref<!tpu.dma_semaphore, #tpu.memory_space<semaphore_mem>>
      %dma_wait3A_466 = arith.constant 0 : i32
      %dma_wait3A_467 = tpu.memref_slice %arg5[%select_n3A_457, %dma_wait3A_466] : memref<2x256xi32, #tpu.memory_space<vmem>> -> memref<1x256xi32, #tpu.memory_space<vmem>>
      %dma_wait3A_468 = tpu.memref_squeeze %dma_wait3A_467 : memref<1x256xi32, #tpu.memory_space<vmem>> -> memref<256xi32, #tpu.memory_space<vmem>>
      %dma_wait3A_469 = arith.constant 0 : i32
      %dma_wait3A_470 = tpu.memref_slice %dma_wait3A_468[%dma_wait3A_469] : memref<256xi32, #tpu.memory_space<vmem>> -> memref<128xi32, #tpu.memory_space<vmem>>
      %dma_wait3A_471 = tpu.memref_slice %arg2[%mul3A_2] : memref<819200xi32, #tpu.memory_space<hbm>> -> memref<128xi32, #tpu.memory_space<hbm>>
      tpu.wait_dma2 semaphore(%dma_wait3A_465 : memref<!tpu.dma_semaphore, #tpu.memory_space<semaphore_mem>>) src(%dma_wait3A_471 : memref<128xi32, #tpu.memory_space<hbm>>) dst(%dma_wait3A_470 : memref<128xi32, #tpu.memory_space<vmem>>)
      %dma_start3A_472 = arith.constant 0 : i32
      %dma_start3A_473 = arith.constant 0 : i32
      %dma_start3A_474 = tpu.memref_slice %arg6[%select_n3A_457, %dma_start3A_472, %dma_start3A_473] : memref<2x128x128xf32, #tpu.memory_space<vmem>> -> memref<1x128x128xf32, #tpu.memory_space<vmem>>
      %dma_start3A_475 = tpu.memref_squeeze %dma_start3A_474 : memref<1x128x128xf32, #tpu.memory_space<vmem>> -> memref<128x128xf32, #tpu.memory_space<vmem>>
      %dma_start3A_476 = arith.constant 0 : i32
      %dma_start3A_477 = tpu.memref_slice %arg5[%select_n3A_457, %dma_start3A_476] : memref<2x256xi32, #tpu.memory_space<vmem>> -> memref<1x256xi32, #tpu.memory_space<vmem>>
      %dma_start3A_478 = tpu.memref_squeeze %dma_start3A_477 : memref<1x256xi32, #tpu.memory_space<vmem>> -> memref<256xi32, #tpu.memory_space<vmem>>
      %dma_start3A_479 = arith.constant 0 : i32
      %dma_start3A_480 = tpu.memref_slice %dma_start3A_478[%dma_start3A_479] : memref<256xi32, #tpu.memory_space<vmem>> -> memref<128xi32, #tpu.memory_space<vmem>>
      %dma_start3A_481 = arith.constant 0 : i32
      %dma_start3A_482 = arith.constant 0 : i32
      %dma_start3A_483 = tpu.memref_slice %arg3[%dma_start3A_481, %dma_start3A_482] : memref<1000000x128xf32, #tpu.memory_space<hbm>> -> memref<1000000x128xf32, #tpu.memory_space<hbm>>
      %dma_start3A_484 = tpu.memref_slice %arg9[%select_n3A_457] : memref<2x!tpu.dma_semaphore, #tpu.memory_space<semaphore_mem>> -> memref<1x!tpu.dma_semaphore, #tpu.memory_space<semaphore_mem>>
      %dma_start3A_485 = tpu.memref_squeeze %dma_start3A_484 : memref<1x!tpu.dma_semaphore, #tpu.memory_space<semaphore_mem>> -> memref<!tpu.dma_semaphore, #tpu.memory_space<semaphore_mem>>
      tpu.enqueue_indirect_dma source(%dma_start3A_483 : memref<1000000x128xf32, #tpu.memory_space<hbm>>) target(%dma_start3A_475 : memref<128x128xf32, #tpu.memory_space<vmem>>) offsets(%dma_start3A_480 : memref<128xi32, #tpu.memory_space<vmem>>) semaphore(%dma_start3A_485 : memref<!tpu.dma_semaphore, #tpu.memory_space<semaphore_mem>>)
      %dma_wait3A_486 = arith.constant 0 : i32
      %dma_wait3A_487 = arith.constant 0 : i32
      %dma_wait3A_488 = arith.constant 0 : i32
      %dma_wait3A_489 = arith.constant 0 : i32
      %dma_wait3A_490 = arith.constant 0 : i32
      %dma_wait3A_491 = tpu.memref_slice %arg6[%dma_wait3A_487, %dma_wait3A_489, %dma_wait3A_490] : memref<2x128x128xf32, #tpu.memory_space<vmem>> -> memref<1x128x128xf32, #tpu.memory_space<vmem>>
      %dma_wait3A_492 = tpu.memref_squeeze %dma_wait3A_491 : memref<1x128x128xf32, #tpu.memory_space<vmem>> -> memref<128x128xf32, #tpu.memory_space<vmem>>
      %dma_wait3A_493 = arith.constant 0 : i32
      %dma_wait3A_494 = tpu.memref_slice %arg5[%dma_wait3A_486, %dma_wait3A_493] : memref<2x256xi32, #tpu.memory_space<vmem>> -> memref<1x256xi32, #tpu.memory_space<vmem>>
      %dma_wait3A_495 = tpu.memref_squeeze %dma_wait3A_494 : memref<1x256xi32, #tpu.memory_space<vmem>> -> memref<256xi32, #tpu.memory_space<vmem>>
      %dma_wait3A_496 = arith.constant 0 : i32
      %dma_wait3A_497 = tpu.memref_slice %dma_wait3A_495[%dma_wait3A_496] : memref<256xi32, #tpu.memory_space<vmem>> -> memref<128xi32, #tpu.memory_space<vmem>>
      %dma_wait3A_498 = arith.constant 0 : i32
      %dma_wait3A_499 = arith.constant 0 : i32
      %dma_wait3A_500 = tpu.memref_slice %arg3[%dma_wait3A_498, %dma_wait3A_499] : memref<1000000x128xf32, #tpu.memory_space<hbm>> -> memref<1000000x128xf32, #tpu.memory_space<hbm>>
      %dma_wait3A_501 = tpu.memref_slice %arg9[%dma_wait3A_488] : memref<2x!tpu.dma_semaphore, #tpu.memory_space<semaphore_mem>> -> memref<1x!tpu.dma_semaphore, #tpu.memory_space<semaphore_mem>>
      %dma_wait3A_502 = tpu.memref_squeeze %dma_wait3A_501 : memref<1x!tpu.dma_semaphore, #tpu.memory_space<semaphore_mem>> -> memref<!tpu.dma_semaphore, #tpu.memory_space<semaphore_mem>>
      tpu.wait_indirect_dma semaphore(%dma_wait3A_502 : memref<!tpu.dma_semaphore, #tpu.memory_space<semaphore_mem>>) src(%dma_wait3A_500 : memref<1000000x128xf32, #tpu.memory_space<hbm>>) dst(%dma_wait3A_492 : memref<128x128xf32, #tpu.memory_space<vmem>>)
      %dma_wait3A_503 = arith.constant 0 : i32
      %dma_wait3A_504 = arith.constant 0 : i32
      %dma_wait3A_505 = arith.constant 0 : i32
      %dma_wait3A_506 = arith.constant 0 : i32
      %dma_wait3A_507 = tpu.memref_slice %arg7[%dma_wait3A_503, %dma_wait3A_505, %dma_wait3A_506] : memref<2x128x64xf32, #tpu.memory_space<vmem>> -> memref<1x128x64xf32, #tpu.memory_space<vmem>>
      %dma_wait3A_508 = tpu.memref_squeeze %dma_wait3A_507 : memref<1x128x64xf32, #tpu.memory_space<vmem>> -> memref<128x64xf32, #tpu.memory_space<vmem>>
      %dma_wait3A_509 = arith.constant 0 : i32
      %dma_wait3A_510 = tpu.memref_slice %arg4[%mul3A_2, %dma_wait3A_509] : memref<819200x64xf32, #tpu.memory_space<hbm>> -> memref<128x64xf32, #tpu.memory_space<hbm>>
      %dma_wait3A_511 = tpu.memref_slice %arg10[%dma_wait3A_504] : memref<2x!tpu.dma_semaphore, #tpu.memory_space<semaphore_mem>> -> memref<1x!tpu.dma_semaphore, #tpu.memory_space<semaphore_mem>>
      %dma_wait3A_512 = tpu.memref_squeeze %dma_wait3A_511 : memref<1x!tpu.dma_semaphore, #tpu.memory_space<semaphore_mem>> -> memref<!tpu.dma_semaphore, #tpu.memory_space<semaphore_mem>>
      %dma_wait3A_513 = arith.constant 0 : i32
      %dma_wait3A_514 = tpu.memref_slice %arg4[%mul3A_2, %dma_wait3A_513] : memref<819200x64xf32, #tpu.memory_space<hbm>> -> memref<128x64xf32, #tpu.memory_space<hbm>>
      %dma_wait3A_515 = arith.constant 0 : i32
      %dma_wait3A_516 = arith.constant 0 : i32
      %dma_wait3A_517 = tpu.memref_slice %arg7[%dma_wait3A_503, %dma_wait3A_515, %dma_wait3A_516] : memref<2x128x64xf32, #tpu.memory_space<vmem>> -> memref<1x128x64xf32, #tpu.memory_space<vmem>>
      %dma_wait3A_518 = tpu.memref_squeeze %dma_wait3A_517 : memref<1x128x64xf32, #tpu.memory_space<vmem>> -> memref<128x64xf32, #tpu.memory_space<vmem>>
      tpu.wait_dma2 semaphore(%dma_wait3A_512 : memref<!tpu.dma_semaphore, #tpu.memory_space<semaphore_mem>>) src(%dma_wait3A_518 : memref<128x64xf32, #tpu.memory_space<vmem>>) dst(%dma_wait3A_514 : memref<128x64xf32, #tpu.memory_space<hbm>>)
      %scan3A_519 = arith.constant 0 : i32
      %scan3A_520 = arith.constant 0 : i32
      %scan3A_521 = arith.constant 128 : i32
      %scan3A_522 = arith.addi %scan3A_520, %scan3A_521 : i32
      %scan3A_523 = arith.constant 1 : i32
      %scan3A_524 = scf.for %scan3A_695 = %scan3A_520 to %scan3A_522 step %scan3A_523 iter_args(%scan3A_696 = %scan3A_519) -> (i32)  : i32 {
        %get3A = arith.constant 0 : i32
        %get3A_697 = arith.index_cast %get3A : i32 to index
        %get3A_698 = arith.index_cast %scan3A_695 : i32 to index
        %get3A_699 = arith.constant 0 : index
        %get3A_700 = tpu.vector_load %arg6[%get3A_697, %get3A_698, %get3A_699] {strides = array<i32>} : memref<2x128x128xf32, #tpu.memory_space<vmem>>, vector<1x1x16xf32>,
        %get3A_701 = vector.shape_cast %get3A_700 : vector<1x1x16xf32> to vector<16xf32>
        %sign3A = tpu.bitcast %get3A_701 : vector<16xf32> -> vector<16xi32>
        %sign3A_702 = arith.constant -2147483648 : i32
        %sign3A_703 = vector.broadcast %sign3A_702 : i32 to vector<16xi32>
        %sign3A_704 = arith.andi %sign3A, %sign3A_703 : vector<16xi32>
        %sign3A_705 = arith.constant 1065353216 : i32
        %sign3A_706 = vector.broadcast %sign3A_705 : i32 to vector<16xi32>
        %sign3A_707 = arith.ori %sign3A_706, %sign3A_704 : vector<16xi32>
        %sign3A_708 = tpu.bitcast %sign3A_707 : vector<16xi32> -> vector<16xf32>
        %sign3A_709 = math.absf %get3A_701 : vector<16xf32>
        %sign3A_710 = arith.constant 0.000000e+00 : f32
        %sign3A_711 = vector.broadcast %sign3A_710 : f32 to vector<16xf32>
        %sign3A_712 = arith.cmpf ogt, %sign3A_709, %sign3A_711 : vector<16xf32>
        %sign3A_713 = arith.select %sign3A_712, %sign3A_708, %get3A_701 : vector<16xi1>, vector<16xf32>
        %swap3A = arith.constant 0 : i32
        %swap3A_714 = arith.index_cast %swap3A : i32 to index
        %swap3A_715 = arith.index_cast %scan3A_695 : i32 to index
        %swap3A_716 = arith.constant 0 : index
        %swap3A_717 = tpu.vector_load %arg7[%swap3A_714, %swap3A_715, %swap3A_716] {strides = array<i32>} : memref<2x128x64xf32, #tpu.memory_space<vmem>>, vector<1x1x16xf32>,
        %swap3A_718 = vector.shape_cast %swap3A_717 : vector<1x1x16xf32> to vector<16xf32>
        %swap3A_719 = vector.shape_cast %sign3A_713 : vector<16xf32> to vector<1x1x16xf32>
        tpu.vector_store %arg7[%swap3A_714, %swap3A_715, %swap3A_716], %swap3A_719 {strides = array<i32>} : memref<2x128x64xf32, #tpu.memory_space<vmem>>, vector<1x1x16xf32>,
        %get3A_720 = arith.constant 0 : i32
        %get3A_721 = arith.index_cast %get3A_720 : i32 to index
        %get3A_722 = arith.index_cast %scan3A_695 : i32 to index
        %get3A_723 = arith.constant 16 : index
        %get3A_724 = tpu.vector_load %arg6[%get3A_721, %get3A_722, %get3A_723] {strides = array<i32>} : memref<2x128x128xf32, #tpu.memory_space<vmem>>, vector<1x1x16xf32>,
        %get3A_725 = vector.shape_cast %get3A_724 : vector<1x1x16xf32> to vector<16xf32>
        %sign3A_726 = tpu.bitcast %get3A_725 : vector<16xf32> -> vector<16xi32>
        %sign3A_727 = arith.constant -2147483648 : i32
        %sign3A_728 = vector.broadcast %sign3A_727 : i32 to vector<16xi32>
        %sign3A_729 = arith.andi %sign3A_726, %sign3A_728 : vector<16xi32>
        %sign3A_730 = arith.constant 1065353216 : i32
        %sign3A_731 = vector.broadcast %sign3A_730 : i32 to vector<16xi32>
        %sign3A_732 = arith.ori %sign3A_731, %sign3A_729 : vector<16xi32>
        %sign3A_733 = tpu.bitcast %sign3A_732 : vector<16xi32> -> vector<16xf32>
        %sign3A_734 = math.absf %get3A_725 : vector<16xf32>
        %sign3A_735 = arith.constant 0.000000e+00 : f32
        %sign3A_736 = vector.broadcast %sign3A_735 : f32 to vector<16xf32>
        %sign3A_737 = arith.cmpf ogt, %sign3A_734, %sign3A_736 : vector<16xf32>
        %sign3A_738 = arith.select %sign3A_737, %sign3A_733, %get3A_725 : vector<16xi1>, vector<16xf32>
        %swap3A_739 = arith.constant 0 : i32
        %swap3A_740 = arith.index_cast %swap3A_739 : i32 to index
        %swap3A_741 = arith.index_cast %scan3A_695 : i32 to index
        %swap3A_742 = arith.constant 16 : index
        %swap3A_743 = tpu.vector_load %arg7[%swap3A_740, %swap3A_741, %swap3A_742] {strides = array<i32>} : memref<2x128x64xf32, #tpu.memory_space<vmem>>, vector<1x1x16xf32>,
        %swap3A_744 = vector.shape_cast %swap3A_743 : vector<1x1x16xf32> to vector<16xf32>
        %swap3A_745 = vector.shape_cast %sign3A_738 : vector<16xf32> to vector<1x1x16xf32>
        tpu.vector_store %arg7[%swap3A_740, %swap3A_741, %swap3A_742], %swap3A_745 {strides = array<i32>} : memref<2x128x64xf32, #tpu.memory_space<vmem>>, vector<1x1x16xf32>,
        %get3A_746 = arith.constant 0 : i32
        %get3A_747 = arith.index_cast %get3A_746 : i32 to index
        %get3A_748 = arith.index_cast %scan3A_695 : i32 to index
        %get3A_749 = arith.constant 32 : index
        %get3A_750 = tpu.vector_load %arg6[%get3A_747, %get3A_748, %get3A_749] {strides = array<i32>} : memref<2x128x128xf32, #tpu.memory_space<vmem>>, vector<1x1x16xf32>,
        %get3A_751 = vector.shape_cast %get3A_750 : vector<1x1x16xf32> to vector<16xf32>
        %sign3A_752 = tpu.bitcast %get3A_751 : vector<16xf32> -> vector<16xi32>
        %sign3A_753 = arith.constant -2147483648 : i32
        %sign3A_754 = vector.broadcast %sign3A_753 : i32 to vector<16xi32>
        %sign3A_755 = arith.andi %sign3A_752, %sign3A_754 : vector<16xi32>
        %sign3A_756 = arith.constant 1065353216 : i32
        %sign3A_757 = vector.broadcast %sign3A_756 : i32 to vector<16xi32>
        %sign3A_758 = arith.ori %sign3A_757, %sign3A_755 : vector<16xi32>
        %sign3A_759 = tpu.bitcast %sign3A_758 : vector<16xi32> -> vector<16xf32>
        %sign3A_760 = math.absf %get3A_751 : vector<16xf32>
        %sign3A_761 = arith.constant 0.000000e+00 : f32
        %sign3A_762 = vector.broadcast %sign3A_761 : f32 to vector<16xf32>
        %sign3A_763 = arith.cmpf ogt, %sign3A_760, %sign3A_762 : vector<16xf32>
        %sign3A_764 = arith.select %sign3A_763, %sign3A_759, %get3A_751 : vector<16xi1>, vector<16xf32>
        %swap3A_765 = arith.constant 0 : i32
        %swap3A_766 = arith.index_cast %swap3A_765 : i32 to index
        %swap3A_767 = arith.index_cast %scan3A_695 : i32 to index
        %swap3A_768 = arith.constant 32 : index
        %swap3A_769 = tpu.vector_load %arg7[%swap3A_766, %swap3A_767, %swap3A_768] {strides = array<i32>} : memref<2x128x64xf32, #tpu.memory_space<vmem>>, vector<1x1x16xf32>,
        %swap3A_770 = vector.shape_cast %swap3A_769 : vector<1x1x16xf32> to vector<16xf32>
        %swap3A_771 = vector.shape_cast %sign3A_764 : vector<16xf32> to vector<1x1x16xf32>
        tpu.vector_store %arg7[%swap3A_766, %swap3A_767, %swap3A_768], %swap3A_771 {strides = array<i32>} : memref<2x128x64xf32, #tpu.memory_space<vmem>>, vector<1x1x16xf32>,
        %get3A_772 = arith.constant 0 : i32
        %get3A_773 = arith.index_cast %get3A_772 : i32 to index
        %get3A_774 = arith.index_cast %scan3A_695 : i32 to index
        %get3A_775 = arith.constant 48 : index
        %get3A_776 = tpu.vector_load %arg6[%get3A_773, %get3A_774, %get3A_775] {strides = array<i32>} : memref<2x128x128xf32, #tpu.memory_space<vmem>>, vector<1x1x16xf32>,
        %get3A_777 = vector.shape_cast %get3A_776 : vector<1x1x16xf32> to vector<16xf32>
        %sign3A_778 = tpu.bitcast %get3A_777 : vector<16xf32> -> vector<16xi32>
        %sign3A_779 = arith.constant -2147483648 : i32
        %sign3A_780 = vector.broadcast %sign3A_779 : i32 to vector<16xi32>
        %sign3A_781 = arith.andi %sign3A_778, %sign3A_780 : vector<16xi32>
        %sign3A_782 = arith.constant 1065353216 : i32
        %sign3A_783 = vector.broadcast %sign3A_782 : i32 to vector<16xi32>
        %sign3A_784 = arith.ori %sign3A_783, %sign3A_781 : vector<16xi32>
        %sign3A_785 = tpu.bitcast %sign3A_784 : vector<16xi32> -> vector<16xf32>
        %sign3A_786 = math.absf %get3A_777 : vector<16xf32>
        %sign3A_787 = arith.constant 0.000000e+00 : f32
        %sign3A_788 = vector.broadcast %sign3A_787 : f32 to vector<16xf32>
        %sign3A_789 = arith.cmpf ogt, %sign3A_786, %sign3A_788 : vector<16xf32>
        %sign3A_790 = arith.select %sign3A_789, %sign3A_785, %get3A_777 : vector<16xi1>, vector<16xf32>
        %swap3A_791 = arith.constant 0 : i32
        %swap3A_792 = arith.index_cast %swap3A_791 : i32 to index
        %swap3A_793 = arith.index_cast %scan3A_695 : i32 to index
        %swap3A_794 = arith.constant 48 : index
        %swap3A_795 = tpu.vector_load %arg7[%swap3A_792, %swap3A_793, %swap3A_794] {strides = array<i32>} : memref<2x128x64xf32, #tpu.memory_space<vmem>>, vector<1x1x16xf32>,
        %swap3A_796 = vector.shape_cast %swap3A_795 : vector<1x1x16xf32> to vector<16xf32>
        %swap3A_797 = vector.shape_cast %sign3A_790 : vector<16xf32> to vector<1x1x16xf32>
        tpu.vector_store %arg7[%swap3A_792, %swap3A_793, %swap3A_794], %swap3A_797 {strides = array<i32>} : memref<2x128x64xf32, #tpu.memory_space<vmem>>, vector<1x1x16xf32>,
        %scan3A_798 = arith.constant 0 : i32
        scf.yield %scan3A_798 : i32
      }
      %scan3A_525 = arith.constant 128 : i32
      %mul3A_526 = arith.constant 128 : i32
      %mul3A_527 = arith.muli %mul3A_446, %mul3A_526 : i32
      %add3A_528 = arith.addi %mul3A_2, %mul3A_527 : i32
      %dma_start3A_529 = arith.constant 0 : i32
      %dma_start3A_530 = arith.constant 0 : i32
      %dma_start3A_531 = arith.constant 0 : i32
      %dma_start3A_532 = arith.constant 0 : i32
      %dma_start3A_533 = tpu.memref_slice %arg7[%dma_start3A_529, %dma_start3A_531, %dma_start3A_532] : memref<2x128x64xf32, #tpu.memory_space<vmem>> -> memref<1x128x64xf32, #tpu.memory_space<vmem>>
      %dma_start3A_534 = tpu.memref_squeeze %dma_start3A_533 : memref<1x128x64xf32, #tpu.memory_space<vmem>> -> memref<128x64xf32, #tpu.memory_space<vmem>>
      %dma_start3A_535 = arith.constant 0 : i32
      %dma_start3A_536 = tpu.memref_slice %arg4[%add3A_528, %dma_start3A_535] : memref<819200x64xf32, #tpu.memory_space<hbm>> -> memref<128x64xf32, #tpu.memory_space<hbm>>
      %dma_start3A_537 = tpu.memref_slice %arg10[%dma_start3A_530] : memref<2x!tpu.dma_semaphore, #tpu.memory_space<semaphore_mem>> -> memref<1x!tpu.dma_semaphore, #tpu.memory_space<semaphore_mem>>
      %dma_start3A_538 = tpu.memref_squeeze %dma_start3A_537 : memref<1x!tpu.dma_semaphore, #tpu.memory_space<semaphore_mem>> -> memref<!tpu.dma_semaphore, #tpu.memory_space<semaphore_mem>>
      %dma_start3A_539 = arith.constant 0 : i32
      %dma_start3A_540 = tpu.memref_slice %arg4[%add3A_528, %dma_start3A_539] : memref<819200x64xf32, #tpu.memory_space<hbm>> -> memref<128x64xf32, #tpu.memory_space<hbm>>
      %dma_start3A_541 = arith.constant 0 : i32
      %dma_start3A_542 = arith.constant 0 : i32
      %dma_start3A_543 = tpu.memref_slice %arg7[%dma_start3A_529, %dma_start3A_541, %dma_start3A_542] : memref<2x128x64xf32, #tpu.memory_space<vmem>> -> memref<1x128x64xf32, #tpu.memory_space<vmem>>
      %dma_start3A_544 = tpu.memref_squeeze %dma_start3A_543 : memref<1x128x64xf32, #tpu.memory_space<vmem>> -> memref<128x64xf32, #tpu.memory_space<vmem>>
      tpu.enqueue_dma source(%dma_start3A_544 : memref<128x64xf32, #tpu.memory_space<vmem>>) target(%dma_start3A_540 : memref<128x64xf32, #tpu.memory_space<hbm>>) target_semaphore(%dma_start3A_538 : memref<!tpu.dma_semaphore, #tpu.memory_space<semaphore_mem>>)
      %add3A_545 = arith.constant 2 : i32
      %add3A_546 = arith.addi %mul3A_446, %add3A_545 : i32
      %mul3A_547 = arith.constant 128 : i32
      %mul3A_548 = arith.muli %add3A_546, %mul3A_547 : i32
      %add3A_549 = arith.addi %mul3A_2, %mul3A_548 : i32
      %dma_start3A_550 = arith.constant 0 : i32
      %dma_start3A_551 = arith.constant 0 : i32
      %dma_start3A_552 = arith.constant 0 : i32
      %dma_start3A_553 = tpu.memref_slice %arg5[%dma_start3A_550, %dma_start3A_552] : memref<2x256xi32, #tpu.memory_space<vmem>> -> memref<1x256xi32, #tpu.memory_space<vmem>>
      %dma_start3A_554 = tpu.memref_squeeze %dma_start3A_553 : memref<1x256xi32, #tpu.memory_space<vmem>> -> memref<256xi32, #tpu.memory_space<vmem>>
      %dma_start3A_555 = arith.constant 0 : i32
      %dma_start3A_556 = tpu.memref_slice %dma_start3A_554[%dma_start3A_555] : memref<256xi32, #tpu.memory_space<vmem>> -> memref<128xi32, #tpu.memory_space<vmem>>
      %dma_start3A_557 = tpu.memref_slice %arg2[%add3A_549] : memref<819200xi32, #tpu.memory_space<hbm>> -> memref<128xi32, #tpu.memory_space<hbm>>
      %dma_start3A_558 = tpu.memref_slice %arg8[%dma_start3A_551] : memref<2x!tpu.dma_semaphore, #tpu.memory_space<semaphore_mem>> -> memref<1x!tpu.dma_semaphore, #tpu.memory_space<semaphore_mem>>
      %dma_start3A_559 = tpu.memref_squeeze %dma_start3A_558 : memref<1x!tpu.dma_semaphore, #tpu.memory_space<semaphore_mem>> -> memref<!tpu.dma_semaphore, #tpu.memory_space<semaphore_mem>>
      %dma_start3A_560 = arith.constant 0 : i32
      %dma_start3A_561 = tpu.memref_slice %arg5[%dma_start3A_550, %dma_start3A_560] : memref<2x256xi32, #tpu.memory_space<vmem>> -> memref<1x256xi32, #tpu.memory_space<vmem>>
      %dma_start3A_562 = tpu.memref_squeeze %dma_start3A_561 : memref<1x256xi32, #tpu.memory_space<vmem>> -> memref<256xi32, #tpu.memory_space<vmem>>
      %dma_start3A_563 = arith.constant 0 : i32
      %dma_start3A_564 = tpu.memref_slice %dma_start3A_562[%dma_start3A_563] : memref<256xi32, #tpu.memory_space<vmem>> -> memref<128xi32, #tpu.memory_space<vmem>>
      %dma_start3A_565 = tpu.memref_slice %arg2[%add3A_549] : memref<819200xi32, #tpu.memory_space<hbm>> -> memref<128xi32, #tpu.memory_space<hbm>>
      tpu.enqueue_dma source(%dma_start3A_565 : memref<128xi32, #tpu.memory_space<hbm>>) target(%dma_start3A_564 : memref<128xi32, #tpu.memory_space<vmem>>) target_semaphore(%dma_start3A_559 : memref<!tpu.dma_semaphore, #tpu.memory_space<semaphore_mem>>)
      %add3A_566 = arith.constant 1 : i32
      %add3A_567 = arith.addi %mul3A_446, %add3A_566 : i32
      %add3A_568 = arith.constant 1 : i32
      %add3A_569 = arith.addi %add3A_567, %add3A_568 : i32
      %jit3A_570 = arith.constant 2 : i32
      %eq3A_571 = arith.constant 0 : i32
      %eq3A_572 = arith.cmpi eq, %jit3A_570, %eq3A_571 : i32
      %jit3A_573 = arith.constant 1 : i32
      %select_n3A_574 = arith.select %eq3A_572, %jit3A_573, %jit3A_570 : i32
      %rem3A_575 = arith.remsi %add3A_569, %select_n3A_574 : i32
      %ne3A_576 = arith.constant 0 : i32
      %ne3A_577 = arith.cmpi ne, %rem3A_575, %ne3A_576 : i32
      %lt3A_578 = arith.constant 0 : i32
      %lt3A_579 = arith.cmpi slt, %rem3A_575, %lt3A_578 : i32
      %lt3A_580 = arith.constant 0 : i32
      %lt3A_581 = arith.cmpi slt, %select_n3A_574, %lt3A_580 : i32
      %ne3A_582 = arith.xori %lt3A_579, %lt3A_581 : i1
      %and3A_583 = arith.andi %ne3A_582, %ne3A_577 : i1
      %add3A_584 = arith.addi %rem3A_575, %select_n3A_574 : i32
      %select_n3A_585 = arith.select %and3A_583, %add3A_584, %rem3A_575 : i32
      %dma_wait3A_586 = arith.constant 0 : i32
      %dma_wait3A_587 = tpu.memref_slice %arg5[%select_n3A_585, %dma_wait3A_586] : memref<2x256xi32, #tpu.memory_space<vmem>> -> memref<1x256xi32, #tpu.memory_space<vmem>>
      %dma_wait3A_588 = tpu.memref_squeeze %dma_wait3A_587 : memref<1x256xi32, #tpu.memory_space<vmem>> -> memref<256xi32, #tpu.memory_space<vmem>>
      %dma_wait3A_589 = arith.constant 0 : i32
      %dma_wait3A_590 = tpu.memref_slice %dma_wait3A_588[%dma_wait3A_589] : memref<256xi32, #tpu.memory_space<vmem>> -> memref<128xi32, #tpu.memory_space<vmem>>
      %dma_wait3A_591 = tpu.memref_slice %arg2[%mul3A_2] : memref<819200xi32, #tpu.memory_space<hbm>> -> memref<128xi32, #tpu.memory_space<hbm>>
      %dma_wait3A_592 = tpu.memref_slice %arg8[%select_n3A_585] : memref<2x!tpu.dma_semaphore, #tpu.memory_space<semaphore_mem>> -> memref<1x!tpu.dma_semaphore, #tpu.memory_space<semaphore_mem>>
      %dma_wait3A_593 = tpu.memref_squeeze %dma_wait3A_592 : memref<1x!tpu.dma_semaphore, #tpu.memory_space<semaphore_mem>> -> memref<!tpu.dma_semaphore, #tpu.memory_space<semaphore_mem>>
      %dma_wait3A_594 = arith.constant 0 : i32
      %dma_wait3A_595 = tpu.memref_slice %arg5[%select_n3A_585, %dma_wait3A_594] : memref<2x256xi32, #tpu.memory_space<vmem>> -> memref<1x256xi32, #tpu.memory_space<vmem>>
      %dma_wait3A_596 = tpu.memref_squeeze %dma_wait3A_595 : memref<1x256xi32, #tpu.memory_space<vmem>> -> memref<256xi32, #tpu.memory_space<vmem>>
      %dma_wait3A_597 = arith.constant 0 : i32
      %dma_wait3A_598 = tpu.memref_slice %dma_wait3A_596[%dma_wait3A_597] : memref<256xi32, #tpu.memory_space<vmem>> -> memref<128xi32, #tpu.memory_space<vmem>>
      %dma_wait3A_599 = tpu.memref_slice %arg2[%mul3A_2] : memref<819200xi32, #tpu.memory_space<hbm>> -> memref<128xi32, #tpu.memory_space<hbm>>
      tpu.wait_dma2 semaphore(%dma_wait3A_593 : memref<!tpu.dma_semaphore, #tpu.memory_space<semaphore_mem>>) src(%dma_wait3A_599 : memref<128xi32, #tpu.memory_space<hbm>>) dst(%dma_wait3A_598 : memref<128xi32, #tpu.memory_space<vmem>>)
      %dma_start3A_600 = arith.constant 0 : i32
      %dma_start3A_601 = arith.constant 0 : i32
      %dma_start3A_602 = tpu.memref_slice %arg6[%select_n3A_585, %dma_start3A_600, %dma_start3A_601] : memref<2x128x128xf32, #tpu.memory_space<vmem>> -> memref<1x128x128xf32, #tpu.memory_space<vmem>>
      %dma_start3A_603 = tpu.memref_squeeze %dma_start3A_602 : memref<1x128x128xf32, #tpu.memory_space<vmem>> -> memref<128x128xf32, #tpu.memory_space<vmem>>
      %dma_start3A_604 = arith.constant 0 : i32
      %dma_start3A_605 = tpu.memref_slice %arg5[%select_n3A_585, %dma_start3A_604] : memref<2x256xi32, #tpu.memory_space<vmem>> -> memref<1x256xi32, #tpu.memory_space<vmem>>
      %dma_start3A_606 = tpu.memref_squeeze %dma_start3A_605 : memref<1x256xi32, #tpu.memory_space<vmem>> -> memref<256xi32, #tpu.memory_space<vmem>>
      %dma_start3A_607 = arith.constant 0 : i32
      %dma_start3A_608 = tpu.memref_slice %dma_start3A_606[%dma_start3A_607] : memref<256xi32, #tpu.memory_space<vmem>> -> memref<128xi32, #tpu.memory_space<vmem>>
      %dma_start3A_609 = arith.constant 0 : i32
      %dma_start3A_610 = arith.constant 0 : i32
      %dma_start3A_611 = tpu.memref_slice %arg3[%dma_start3A_609, %dma_start3A_610] : memref<1000000x128xf32, #tpu.memory_space<hbm>> -> memref<1000000x128xf32, #tpu.memory_space<hbm>>
      %dma_start3A_612 = tpu.memref_slice %arg9[%select_n3A_585] : memref<2x!tpu.dma_semaphore, #tpu.memory_space<semaphore_mem>> -> memref<1x!tpu.dma_semaphore, #tpu.memory_space<semaphore_mem>>
      %dma_start3A_613 = tpu.memref_squeeze %dma_start3A_612 : memref<1x!tpu.dma_semaphore, #tpu.memory_space<semaphore_mem>> -> memref<!tpu.dma_semaphore, #tpu.memory_space<semaphore_mem>>
      tpu.enqueue_indirect_dma source(%dma_start3A_611 : memref<1000000x128xf32, #tpu.memory_space<hbm>>) target(%dma_start3A_603 : memref<128x128xf32, #tpu.memory_space<vmem>>) offsets(%dma_start3A_608 : memref<128xi32, #tpu.memory_space<vmem>>) semaphore(%dma_start3A_613 : memref<!tpu.dma_semaphore, #tpu.memory_space<semaphore_mem>>)
      %dma_wait3A_614 = arith.constant 1 : i32
      %dma_wait3A_615 = arith.constant 1 : i32
      %dma_wait3A_616 = arith.constant 1 : i32
      %dma_wait3A_617 = arith.constant 0 : i32
      %dma_wait3A_618 = arith.constant 0 : i32
      %dma_wait3A_619 = tpu.memref_slice %arg6[%dma_wait3A_615, %dma_wait3A_617, %dma_wait3A_618] : memref<2x128x128xf32, #tpu.memory_space<vmem>> -> memref<1x128x128xf32, #tpu.memory_space<vmem>>
      %dma_wait3A_620 = tpu.memref_squeeze %dma_wait3A_619 : memref<1x128x128xf32, #tpu.memory_space<vmem>> -> memref<128x128xf32, #tpu.memory_space<vmem>>
      %dma_wait3A_621 = arith.constant 0 : i32
      %dma_wait3A_622 = tpu.memref_slice %arg5[%dma_wait3A_614, %dma_wait3A_621] : memref<2x256xi32, #tpu.memory_space<vmem>> -> memref<1x256xi32, #tpu.memory_space<vmem>>
      %dma_wait3A_623 = tpu.memref_squeeze %dma_wait3A_622 : memref<1x256xi32, #tpu.memory_space<vmem>> -> memref<256xi32, #tpu.memory_space<vmem>>
      %dma_wait3A_624 = arith.constant 0 : i32
      %dma_wait3A_625 = tpu.memref_slice %dma_wait3A_623[%dma_wait3A_624] : memref<256xi32, #tpu.memory_space<vmem>> -> memref<128xi32, #tpu.memory_space<vmem>>
      %dma_wait3A_626 = arith.constant 0 : i32
      %dma_wait3A_627 = arith.constant 0 : i32
      %dma_wait3A_628 = tpu.memref_slice %arg3[%dma_wait3A_626, %dma_wait3A_627] : memref<1000000x128xf32, #tpu.memory_space<hbm>> -> memref<1000000x128xf32, #tpu.memory_space<hbm>>
      %dma_wait3A_629 = tpu.memref_slice %arg9[%dma_wait3A_616] : memref<2x!tpu.dma_semaphore, #tpu.memory_space<semaphore_mem>> -> memref<1x!tpu.dma_semaphore, #tpu.memory_space<semaphore_mem>>
      %dma_wait3A_630 = tpu.memref_squeeze %dma_wait3A_629 : memref<1x!tpu.dma_semaphore, #tpu.memory_space<semaphore_mem>> -> memref<!tpu.dma_semaphore, #tpu.memory_space<semaphore_mem>>
      tpu.wait_indirect_dma semaphore(%dma_wait3A_630 : memref<!tpu.dma_semaphore, #tpu.memory_space<semaphore_mem>>) src(%dma_wait3A_628 : memref<1000000x128xf32, #tpu.memory_space<hbm>>) dst(%dma_wait3A_620 : memref<128x128xf32, #tpu.memory_space<vmem>>)
      %dma_wait3A_631 = arith.constant 1 : i32
      %dma_wait3A_632 = arith.constant 1 : i32
      %dma_wait3A_633 = arith.constant 0 : i32
      %dma_wait3A_634 = arith.constant 0 : i32
      %dma_wait3A_635 = tpu.memref_slice %arg7[%dma_wait3A_631, %dma_wait3A_633, %dma_wait3A_634] : memref<2x128x64xf32, #tpu.memory_space<vmem>> -> memref<1x128x64xf32, #tpu.memory_space<vmem>>
      %dma_wait3A_636 = tpu.memref_squeeze %dma_wait3A_635 : memref<1x128x64xf32, #tpu.memory_space<vmem>> -> memref<128x64xf32, #tpu.memory_space<vmem>>
      %dma_wait3A_637 = arith.constant 0 : i32
      %dma_wait3A_638 = tpu.memref_slice %arg4[%mul3A_2, %dma_wait3A_637] : memref<819200x64xf32, #tpu.memory_space<hbm>> -> memref<128x64xf32, #tpu.memory_space<hbm>>
      %dma_wait3A_639 = tpu.memref_slice %arg10[%dma_wait3A_632] : memref<2x!tpu.dma_semaphore, #tpu.memory_space<semaphore_mem>> -> memref<1x!tpu.dma_semaphore, #tpu.memory_space<semaphore_mem>>
      %dma_wait3A_640 = tpu.memref_squeeze %dma_wait3A_639 : memref<1x!tpu.dma_semaphore, #tpu.memory_space<semaphore_mem>> -> memref<!tpu.dma_semaphore, #tpu.memory_space<semaphore_mem>>
      %dma_wait3A_641 = arith.constant 0 : i32
      %dma_wait3A_642 = tpu.memref_slice %arg4[%mul3A_2, %dma_wait3A_641] : memref<819200x64xf32, #tpu.memory_space<hbm>> -> memref<128x64xf32, #tpu.memory_space<hbm>>
      %dma_wait3A_643 = arith.constant 0 : i32
      %dma_wait3A_644 = arith.constant 0 : i32
      %dma_wait3A_645 = tpu.memref_slice %arg7[%dma_wait3A_631, %dma_wait3A_643, %dma_wait3A_644] : memref<2x128x64xf32, #tpu.memory_space<vmem>> -> memref<1x128x64xf32, #tpu.memory_space<vmem>>
      %dma_wait3A_646 = tpu.memref_squeeze %dma_wait3A_645 : memref<1x128x64xf32, #tpu.memory_space<vmem>> -> memref<128x64xf32, #tpu.memory_space<vmem>>
      tpu.wait_dma2 semaphore(%dma_wait3A_640 : memref<!tpu.dma_semaphore, #tpu.memory_space<semaphore_mem>>) src(%dma_wait3A_646 : memref<128x64xf32, #tpu.memory_space<vmem>>) dst(%dma_wait3A_642 : memref<128x64xf32, #tpu.memory_space<hbm>>)
      %scan3A_647 = arith.constant 0 : i32
      %scan3A_648 = arith.constant 0 : i32
      %scan3A_649 = arith.constant 128 : i32
      %scan3A_650 = arith.addi %scan3A_648, %scan3A_649 : i32
      %scan3A_651 = arith.constant 1 : i32
      %scan3A_652 = scf.for %scan3A_695 = %scan3A_648 to %scan3A_650 step %scan3A_651 iter_args(%scan3A_696 = %scan3A_647) -> (i32)  : i32 {
        %get3A = arith.constant 1 : i32
        %get3A_697 = arith.index_cast %get3A : i32 to index
        %get3A_698 = arith.index_cast %scan3A_695 : i32 to index
        %get3A_699 = arith.constant 0 : index
        %get3A_700 = tpu.vector_load %arg6[%get3A_697, %get3A_698, %get3A_699] {strides = array<i32>} : memref<2x128x128xf32, #tpu.memory_space<vmem>>, vector<1x1x16xf32>,
        %get3A_701 = vector.shape_cast %get3A_700 : vector<1x1x16xf32> to vector<16xf32>
        %sign3A = tpu.bitcast %get3A_701 : vector<16xf32> -> vector<16xi32>
        %sign3A_702 = arith.constant -2147483648 : i32
        %sign3A_703 = vector.broadcast %sign3A_702 : i32 to vector<16xi32>
        %sign3A_704 = arith.andi %sign3A, %sign3A_703 : vector<16xi32>
        %sign3A_705 = arith.constant 1065353216 : i32
        %sign3A_706 = vector.broadcast %sign3A_705 : i32 to vector<16xi32>
        %sign3A_707 = arith.ori %sign3A_706, %sign3A_704 : vector<16xi32>
        %sign3A_708 = tpu.bitcast %sign3A_707 : vector<16xi32> -> vector<16xf32>
        %sign3A_709 = math.absf %get3A_701 : vector<16xf32>
        %sign3A_710 = arith.constant 0.000000e+00 : f32
        %sign3A_711 = vector.broadcast %sign3A_710 : f32 to vector<16xf32>
        %sign3A_712 = arith.cmpf ogt, %sign3A_709, %sign3A_711 : vector<16xf32>
        %sign3A_713 = arith.select %sign3A_712, %sign3A_708, %get3A_701 : vector<16xi1>, vector<16xf32>
        %swap3A = arith.constant 1 : i32
        %swap3A_714 = arith.index_cast %swap3A : i32 to index
        %swap3A_715 = arith.index_cast %scan3A_695 : i32 to index
        %swap3A_716 = arith.constant 0 : index
        %swap3A_717 = tpu.vector_load %arg7[%swap3A_714, %swap3A_715, %swap3A_716] {strides = array<i32>} : memref<2x128x64xf32, #tpu.memory_space<vmem>>, vector<1x1x16xf32>,
        %swap3A_718 = vector.shape_cast %swap3A_717 : vector<1x1x16xf32> to vector<16xf32>
        %swap3A_719 = vector.shape_cast %sign3A_713 : vector<16xf32> to vector<1x1x16xf32>
        tpu.vector_store %arg7[%swap3A_714, %swap3A_715, %swap3A_716], %swap3A_719 {strides = array<i32>} : memref<2x128x64xf32, #tpu.memory_space<vmem>>, vector<1x1x16xf32>,
        %get3A_720 = arith.constant 1 : i32
        %get3A_721 = arith.index_cast %get3A_720 : i32 to index
        %get3A_722 = arith.index_cast %scan3A_695 : i32 to index
        %get3A_723 = arith.constant 16 : index
        %get3A_724 = tpu.vector_load %arg6[%get3A_721, %get3A_722, %get3A_723] {strides = array<i32>} : memref<2x128x128xf32, #tpu.memory_space<vmem>>, vector<1x1x16xf32>,
        %get3A_725 = vector.shape_cast %get3A_724 : vector<1x1x16xf32> to vector<16xf32>
        %sign3A_726 = tpu.bitcast %get3A_725 : vector<16xf32> -> vector<16xi32>
        %sign3A_727 = arith.constant -2147483648 : i32
        %sign3A_728 = vector.broadcast %sign3A_727 : i32 to vector<16xi32>
        %sign3A_729 = arith.andi %sign3A_726, %sign3A_728 : vector<16xi32>
        %sign3A_730 = arith.constant 1065353216 : i32
        %sign3A_731 = vector.broadcast %sign3A_730 : i32 to vector<16xi32>
        %sign3A_732 = arith.ori %sign3A_731, %sign3A_729 : vector<16xi32>
        %sign3A_733 = tpu.bitcast %sign3A_732 : vector<16xi32> -> vector<16xf32>
        %sign3A_734 = math.absf %get3A_725 : vector<16xf32>
        %sign3A_735 = arith.constant 0.000000e+00 : f32
        %sign3A_736 = vector.broadcast %sign3A_735 : f32 to vector<16xf32>
        %sign3A_737 = arith.cmpf ogt, %sign3A_734, %sign3A_736 : vector<16xf32>
        %sign3A_738 = arith.select %sign3A_737, %sign3A_733, %get3A_725 : vector<16xi1>, vector<16xf32>
        %swap3A_739 = arith.constant 1 : i32
        %swap3A_740 = arith.index_cast %swap3A_739 : i32 to index
        %swap3A_741 = arith.index_cast %scan3A_695 : i32 to index
        %swap3A_742 = arith.constant 16 : index
        %swap3A_743 = tpu.vector_load %arg7[%swap3A_740, %swap3A_741, %swap3A_742] {strides = array<i32>} : memref<2x128x64xf32, #tpu.memory_space<vmem>>, vector<1x1x16xf32>,
        %swap3A_744 = vector.shape_cast %swap3A_743 : vector<1x1x16xf32> to vector<16xf32>
        %swap3A_745 = vector.shape_cast %sign3A_738 : vector<16xf32> to vector<1x1x16xf32>
        tpu.vector_store %arg7[%swap3A_740, %swap3A_741, %swap3A_742], %swap3A_745 {strides = array<i32>} : memref<2x128x64xf32, #tpu.memory_space<vmem>>, vector<1x1x16xf32>,
        %get3A_746 = arith.constant 1 : i32
        %get3A_747 = arith.index_cast %get3A_746 : i32 to index
        %get3A_748 = arith.index_cast %scan3A_695 : i32 to index
        %get3A_749 = arith.constant 32 : index
        %get3A_750 = tpu.vector_load %arg6[%get3A_747, %get3A_748, %get3A_749] {strides = array<i32>} : memref<2x128x128xf32, #tpu.memory_space<vmem>>, vector<1x1x16xf32>,
        %get3A_751 = vector.shape_cast %get3A_750 : vector<1x1x16xf32> to vector<16xf32>
        %sign3A_752 = tpu.bitcast %get3A_751 : vector<16xf32> -> vector<16xi32>
        %sign3A_753 = arith.constant -2147483648 : i32
        %sign3A_754 = vector.broadcast %sign3A_753 : i32 to vector<16xi32>
        %sign3A_755 = arith.andi %sign3A_752, %sign3A_754 : vector<16xi32>
        %sign3A_756 = arith.constant 1065353216 : i32
        %sign3A_757 = vector.broadcast %sign3A_756 : i32 to vector<16xi32>
        %sign3A_758 = arith.ori %sign3A_757, %sign3A_755 : vector<16xi32>
        %sign3A_759 = tpu.bitcast %sign3A_758 : vector<16xi32> -> vector<16xf32>
        %sign3A_760 = math.absf %get3A_751 : vector<16xf32>
        %sign3A_761 = arith.constant 0.000000e+00 : f32
        %sign3A_762 = vector.broadcast %sign3A_761 : f32 to vector<16xf32>
        %sign3A_763 = arith.cmpf ogt, %sign3A_760, %sign3A_762 : vector<16xf32>
        %sign3A_764 = arith.select %sign3A_763, %sign3A_759, %get3A_751 : vector<16xi1>, vector<16xf32>
        %swap3A_765 = arith.constant 1 : i32
        %swap3A_766 = arith.index_cast %swap3A_765 : i32 to index
        %swap3A_767 = arith.index_cast %scan3A_695 : i32 to index
        %swap3A_768 = arith.constant 32 : index
        %swap3A_769 = tpu.vector_load %arg7[%swap3A_766, %swap3A_767, %swap3A_768] {strides = array<i32>} : memref<2x128x64xf32, #tpu.memory_space<vmem>>, vector<1x1x16xf32>,
        %swap3A_770 = vector.shape_cast %swap3A_769 : vector<1x1x16xf32> to vector<16xf32>
        %swap3A_771 = vector.shape_cast %sign3A_764 : vector<16xf32> to vector<1x1x16xf32>
        tpu.vector_store %arg7[%swap3A_766, %swap3A_767, %swap3A_768], %swap3A_771 {strides = array<i32>} : memref<2x128x64xf32, #tpu.memory_space<vmem>>, vector<1x1x16xf32>,
        %get3A_772 = arith.constant 1 : i32
        %get3A_773 = arith.index_cast %get3A_772 : i32 to index
        %get3A_774 = arith.index_cast %scan3A_695 : i32 to index
        %get3A_775 = arith.constant 48 : index
        %get3A_776 = tpu.vector_load %arg6[%get3A_773, %get3A_774, %get3A_775] {strides = array<i32>} : memref<2x128x128xf32, #tpu.memory_space<vmem>>, vector<1x1x16xf32>,
        %get3A_777 = vector.shape_cast %get3A_776 : vector<1x1x16xf32> to vector<16xf32>
        %sign3A_778 = tpu.bitcast %get3A_777 : vector<16xf32> -> vector<16xi32>
        %sign3A_779 = arith.constant -2147483648 : i32
        %sign3A_780 = vector.broadcast %sign3A_779 : i32 to vector<16xi32>
        %sign3A_781 = arith.andi %sign3A_778, %sign3A_780 : vector<16xi32>
        %sign3A_782 = arith.constant 1065353216 : i32
        %sign3A_783 = vector.broadcast %sign3A_782 : i32 to vector<16xi32>
        %sign3A_784 = arith.ori %sign3A_783, %sign3A_781 : vector<16xi32>
        %sign3A_785 = tpu.bitcast %sign3A_784 : vector<16xi32> -> vector<16xf32>
        %sign3A_786 = math.absf %get3A_777 : vector<16xf32>
        %sign3A_787 = arith.constant 0.000000e+00 : f32
        %sign3A_788 = vector.broadcast %sign3A_787 : f32 to vector<16xf32>
        %sign3A_789 = arith.cmpf ogt, %sign3A_786, %sign3A_788 : vector<16xf32>
        %sign3A_790 = arith.select %sign3A_789, %sign3A_785, %get3A_777 : vector<16xi1>, vector<16xf32>
        %swap3A_791 = arith.constant 1 : i32
        %swap3A_792 = arith.index_cast %swap3A_791 : i32 to index
        %swap3A_793 = arith.index_cast %scan3A_695 : i32 to index
        %swap3A_794 = arith.constant 48 : index
        %swap3A_795 = tpu.vector_load %arg7[%swap3A_792, %swap3A_793, %swap3A_794] {strides = array<i32>} : memref<2x128x64xf32, #tpu.memory_space<vmem>>, vector<1x1x16xf32>,
        %swap3A_796 = vector.shape_cast %swap3A_795 : vector<1x1x16xf32> to vector<16xf32>
        %swap3A_797 = vector.shape_cast %sign3A_790 : vector<16xf32> to vector<1x1x16xf32>
        tpu.vector_store %arg7[%swap3A_792, %swap3A_793, %swap3A_794], %swap3A_797 {strides = array<i32>} : memref<2x128x64xf32, #tpu.memory_space<vmem>>, vector<1x1x16xf32>,
        %scan3A_798 = arith.constant 0 : i32
        scf.yield %scan3A_798 : i32
      }
      %scan3A_653 = arith.constant 128 : i32
      %mul3A_654 = arith.constant 128 : i32
      %mul3A_655 = arith.muli %add3A_567, %mul3A_654 : i32
      %add3A_656 = arith.addi %mul3A_2, %mul3A_655 : i32
      %dma_start3A_657 = arith.constant 1 : i32
      %dma_start3A_658 = arith.constant 1 : i32
      %dma_start3A_659 = arith.constant 0 : i32
      %dma_start3A_660 = arith.constant 0 : i32
      %dma_start3A_661 = tpu.memref_slice %arg7[%dma_start3A_657, %dma_start3A_659, %dma_start3A_660] : memref<2x128x64xf32, #tpu.memory_space<vmem>> -> memref<1x128x64xf32, #tpu.memory_space<vmem>>
      %dma_start3A_662 = tpu.memref_squeeze %dma_start3A_661 : memref<1x128x64xf32, #tpu.memory_space<vmem>> -> memref<128x64xf32, #tpu.memory_space<vmem>>
      %dma_start3A_663 = arith.constant 0 : i32
      %dma_start3A_664 = tpu.memref_slice %arg4[%add3A_656, %dma_start3A_663] : memref<819200x64xf32, #tpu.memory_space<hbm>> -> memref<128x64xf32, #tpu.memory_space<hbm>>
      %dma_start3A_665 = tpu.memref_slice %arg10[%dma_start3A_658] : memref<2x!tpu.dma_semaphore, #tpu.memory_space<semaphore_mem>> -> memref<1x!tpu.dma_semaphore, #tpu.memory_space<semaphore_mem>>
      %dma_start3A_666 = tpu.memref_squeeze %dma_start3A_665 : memref<1x!tpu.dma_semaphore, #tpu.memory_space<semaphore_mem>> -> memref<!tpu.dma_semaphore, #tpu.memory_space<semaphore_mem>>
      %dma_start3A_667 = arith.constant 0 : i32
      %dma_start3A_668 = tpu.memref_slice %arg4[%add3A_656, %dma_start3A_667] : memref<819200x64xf32, #tpu.memory_space<hbm>> -> memref<128x64xf32, #tpu.memory_space<hbm>>
      %dma_start3A_669 = arith.constant 0 : i32
      %dma_start3A_670 = arith.constant 0 : i32
      %dma_start3A_671 = tpu.memref_slice %arg7[%dma_start3A_657, %dma_start3A_669, %dma_start3A_670] : memref<2x128x64xf32, #tpu.memory_space<vmem>> -> memref<1x128x64xf32, #tpu.memory_space<vmem>>
      %dma_start3A_672 = tpu.memref_squeeze %dma_start3A_671 : memref<1x128x64xf32, #tpu.memory_space<vmem>> -> memref<128x64xf32, #tpu.memory_space<vmem>>
      tpu.enqueue_dma source(%dma_start3A_672 : memref<128x64xf32, #tpu.memory_space<vmem>>) target(%dma_start3A_668 : memref<128x64xf32, #tpu.memory_space<hbm>>) target_semaphore(%dma_start3A_666 : memref<!tpu.dma_semaphore, #tpu.memory_space<semaphore_mem>>)
      %add3A_673 = arith.constant 2 : i32
      %add3A_674 = arith.addi %add3A_567, %add3A_673 : i32
      %mul3A_675 = arith.constant 128 : i32
      %mul3A_676 = arith.muli %add3A_674, %mul3A_675 : i32
      %add3A_677 = arith.addi %mul3A_2, %mul3A_676 : i32
      %dma_start3A_678 = arith.constant 1 : i32
      %dma_start3A_679 = arith.constant 1 : i32
      %dma_start3A_680 = arith.constant 0 : i32
      %dma_start3A_681 = tpu.memref_slice %arg5[%dma_start3A_678, %dma_start3A_680] : memref<2x256xi32, #tpu.memory_space<vmem>> -> memref<1x256xi32, #tpu.memory_space<vmem>>
      %dma_start3A_682 = tpu.memref_squeeze %dma_start3A_681 : memref<1x256xi32, #tpu.memory_space<vmem>> -> memref<256xi32, #tpu.memory_space<vmem>>
      %dma_start3A_683 = arith.constant 0 : i32
      %dma_start3A_684 = tpu.memref_slice %dma_start3A_682[%dma_start3A_683] : memref<256xi32, #tpu.memory_space<vmem>> -> memref<128xi32, #tpu.memory_space<vmem>>
      %dma_start3A_685 = tpu.memref_slice %arg2[%add3A_677] : memref<819200xi32, #tpu.memory_space<hbm>> -> memref<128xi32, #tpu.memory_space<hbm>>
      %dma_start3A_686 = tpu.memref_slice %arg8[%dma_start3A_679] : memref<2x!tpu.dma_semaphore, #tpu.memory_space<semaphore_mem>> -> memref<1x!tpu.dma_semaphore, #tpu.memory_space<semaphore_mem>>
      %dma_start3A_687 = tpu.memref_squeeze %dma_start3A_686 : memref<1x!tpu.dma_semaphore, #tpu.memory_space<semaphore_mem>> -> memref<!tpu.dma_semaphore, #tpu.memory_space<semaphore_mem>>
      %dma_start3A_688 = arith.constant 0 : i32
      %dma_start3A_689 = tpu.memref_slice %arg5[%dma_start3A_678, %dma_start3A_688] : memref<2x256xi32, #tpu.memory_space<vmem>> -> memref<1x256xi32, #tpu.memory_space<vmem>>
      %dma_start3A_690 = tpu.memref_squeeze %dma_start3A_689 : memref<1x256xi32, #tpu.memory_space<vmem>> -> memref<256xi32, #tpu.memory_space<vmem>>
      %dma_start3A_691 = arith.constant 0 : i32
      %dma_start3A_692 = tpu.memref_slice %dma_start3A_690[%dma_start3A_691] : memref<256xi32, #tpu.memory_space<vmem>> -> memref<128xi32, #tpu.memory_space<vmem>>
      %dma_start3A_693 = tpu.memref_slice %arg2[%add3A_677] : memref<819200xi32, #tpu.memory_space<hbm>> -> memref<128xi32, #tpu.memory_space<hbm>>
      tpu.enqueue_dma source(%dma_start3A_693 : memref<128xi32, #tpu.memory_space<hbm>>) target(%dma_start3A_692 : memref<128xi32, #tpu.memory_space<vmem>>) target_semaphore(%dma_start3A_687 : memref<!tpu.dma_semaphore, #tpu.memory_space<semaphore_mem>>)
      %scan3A_694 = arith.constant 0 : i32
      scf.yield %scan3A_694 : i32
    }
    %scan3A_261 = arith.constant 98 : i32
    %dma_wait3A_262 = arith.constant 1 : i32
    %dma_wait3A_263 = arith.constant 1 : i32
    %dma_wait3A_264 = arith.constant 0 : i32
    %dma_wait3A_265 = tpu.memref_slice %arg5[%dma_wait3A_262, %dma_wait3A_264] : memref<2x256xi32, #tpu.memory_space<vmem>> -> memref<1x256xi32, #tpu.memory_space<vmem>>
    %dma_wait3A_266 = tpu.memref_squeeze %dma_wait3A_265 : memref<1x256xi32, #tpu.memory_space<vmem>> -> memref<256xi32, #tpu.memory_space<vmem>>
    %dma_wait3A_267 = arith.constant 0 : i32
    %dma_wait3A_268 = tpu.memref_slice %dma_wait3A_266[%dma_wait3A_267] : memref<256xi32, #tpu.memory_space<vmem>> -> memref<128xi32, #tpu.memory_space<vmem>>
    %dma_wait3A_269 = tpu.memref_slice %arg2[%mul3A_2] : memref<819200xi32, #tpu.memory_space<hbm>> -> memref<128xi32, #tpu.memory_space<hbm>>
    %dma_wait3A_270 = tpu.memref_slice %arg8[%dma_wait3A_263] : memref<2x!tpu.dma_semaphore, #tpu.memory_space<semaphore_mem>> -> memref<1x!tpu.dma_semaphore, #tpu.memory_space<semaphore_mem>>
    %dma_wait3A_271 = tpu.memref_squeeze %dma_wait3A_270 : memref<1x!tpu.dma_semaphore, #tpu.memory_space<semaphore_mem>> -> memref<!tpu.dma_semaphore, #tpu.memory_space<semaphore_mem>>
    %dma_wait3A_272 = arith.constant 0 : i32
    %dma_wait3A_273 = tpu.memref_slice %arg5[%dma_wait3A_262, %dma_wait3A_272] : memref<2x256xi32, #tpu.memory_space<vmem>> -> memref<1x256xi32, #tpu.memory_space<vmem>>
    %dma_wait3A_274 = tpu.memref_squeeze %dma_wait3A_273 : memref<1x256xi32, #tpu.memory_space<vmem>> -> memref<256xi32, #tpu.memory_space<vmem>>
    %dma_wait3A_275 = arith.constant 0 : i32
    %dma_wait3A_276 = tpu.memref_slice %dma_wait3A_274[%dma_wait3A_275] : memref<256xi32, #tpu.memory_space<vmem>> -> memref<128xi32, #tpu.memory_space<vmem>>
    %dma_wait3A_277 = tpu.memref_slice %arg2[%mul3A_2] : memref<819200xi32, #tpu.memory_space<hbm>> -> memref<128xi32, #tpu.memory_space<hbm>>
    tpu.wait_dma2 semaphore(%dma_wait3A_271 : memref<!tpu.dma_semaphore, #tpu.memory_space<semaphore_mem>>) src(%dma_wait3A_277 : memref<128xi32, #tpu.memory_space<hbm>>) dst(%dma_wait3A_276 : memref<128xi32, #tpu.memory_space<vmem>>)
    %dma_start3A_278 = arith.constant 1 : i32
    %dma_start3A_279 = arith.constant 1 : i32
    %dma_start3A_280 = arith.constant 1 : i32
    %dma_start3A_281 = arith.constant 0 : i32
    %dma_start3A_282 = arith.constant 0 : i32
    %dma_start3A_283 = tpu.memref_slice %arg6[%dma_start3A_279, %dma_start3A_281, %dma_start3A_282] : memref<2x128x128xf32, #tpu.memory_space<vmem>> -> memref<1x128x128xf32, #tpu.memory_space<vmem>>
    %dma_start3A_284 = tpu.memref_squeeze %dma_start3A_283 : memref<1x128x128xf32, #tpu.memory_space<vmem>> -> memref<128x128xf32, #tpu.memory_space<vmem>>
    %dma_start3A_285 = arith.constant 0 : i32
    %dma_start3A_286 = tpu.memref_slice %arg5[%dma_start3A_278, %dma_start3A_285] : memref<2x256xi32, #tpu.memory_space<vmem>> -> memref<1x256xi32, #tpu.memory_space<vmem>>
    %dma_start3A_287 = tpu.memref_squeeze %dma_start3A_286 : memref<1x256xi32, #tpu.memory_space<vmem>> -> memref<256xi32, #tpu.memory_space<vmem>>
    %dma_start3A_288 = arith.constant 0 : i32
    %dma_start3A_289 = tpu.memref_slice %dma_start3A_287[%dma_start3A_288] : memref<256xi32, #tpu.memory_space<vmem>> -> memref<128xi32, #tpu.memory_space<vmem>>
    %dma_start3A_290 = arith.constant 0 : i32
    %dma_start3A_291 = arith.constant 0 : i32
    %dma_start3A_292 = tpu.memref_slice %arg3[%dma_start3A_290, %dma_start3A_291] : memref<1000000x128xf32, #tpu.memory_space<hbm>> -> memref<1000000x128xf32, #tpu.memory_space<hbm>>
    %dma_start3A_293 = tpu.memref_slice %arg9[%dma_start3A_280] : memref<2x!tpu.dma_semaphore, #tpu.memory_space<semaphore_mem>> -> memref<1x!tpu.dma_semaphore, #tpu.memory_space<semaphore_mem>>
    %dma_start3A_294 = tpu.memref_squeeze %dma_start3A_293 : memref<1x!tpu.dma_semaphore, #tpu.memory_space<semaphore_mem>> -> memref<!tpu.dma_semaphore, #tpu.memory_space<semaphore_mem>>
    tpu.enqueue_indirect_dma source(%dma_start3A_292 : memref<1000000x128xf32, #tpu.memory_space<hbm>>) target(%dma_start3A_284 : memref<128x128xf32, #tpu.memory_space<vmem>>) offsets(%dma_start3A_289 : memref<128xi32, #tpu.memory_space<vmem>>) semaphore(%dma_start3A_294 : memref<!tpu.dma_semaphore, #tpu.memory_space<semaphore_mem>>)
    %dma_wait3A_295 = arith.constant 0 : i32
    %dma_wait3A_296 = arith.constant 0 : i32
    %dma_wait3A_297 = arith.constant 0 : i32
    %dma_wait3A_298 = arith.constant 0 : i32
    %dma_wait3A_299 = arith.constant 0 : i32
    %dma_wait3A_300 = tpu.memref_slice %arg6[%dma_wait3A_296, %dma_wait3A_298, %dma_wait3A_299] : memref<2x128x128xf32, #tpu.memory_space<vmem>> -> memref<1x128x128xf32, #tpu.memory_space<vmem>>
    %dma_wait3A_301 = tpu.memref_squeeze %dma_wait3A_300 : memref<1x128x128xf32, #tpu.memory_space<vmem>> -> memref<128x128xf32, #tpu.memory_space<vmem>>
    %dma_wait3A_302 = arith.constant 0 : i32
    %dma_wait3A_303 = tpu.memref_slice %arg5[%dma_wait3A_295, %dma_wait3A_302] : memref<2x256xi32, #tpu.memory_space<vmem>> -> memref<1x256xi32, #tpu.memory_space<vmem>>
    %dma_wait3A_304 = tpu.memref_squeeze %dma_wait3A_303 : memref<1x256xi32, #tpu.memory_space<vmem>> -> memref<256xi32, #tpu.memory_space<vmem>>
    %dma_wait3A_305 = arith.constant 0 : i32
    %dma_wait3A_306 = tpu.memref_slice %dma_wait3A_304[%dma_wait3A_305] : memref<256xi32, #tpu.memory_space<vmem>> -> memref<128xi32, #tpu.memory_space<vmem>>
    %dma_wait3A_307 = arith.constant 0 : i32
    %dma_wait3A_308 = arith.constant 0 : i32
    %dma_wait3A_309 = tpu.memref_slice %arg3[%dma_wait3A_307, %dma_wait3A_308] : memref<1000000x128xf32, #tpu.memory_space<hbm>> -> memref<1000000x128xf32, #tpu.memory_space<hbm>>
    %dma_wait3A_310 = tpu.memref_slice %arg9[%dma_wait3A_297] : memref<2x!tpu.dma_semaphore, #tpu.memory_space<semaphore_mem>> -> memref<1x!tpu.dma_semaphore, #tpu.memory_space<semaphore_mem>>
    %dma_wait3A_311 = tpu.memref_squeeze %dma_wait3A_310 : memref<1x!tpu.dma_semaphore, #tpu.memory_space<semaphore_mem>> -> memref<!tpu.dma_semaphore, #tpu.memory_space<semaphore_mem>>
    tpu.wait_indirect_dma semaphore(%dma_wait3A_311 : memref<!tpu.dma_semaphore, #tpu.memory_space<semaphore_mem>>) src(%dma_wait3A_309 : memref<1000000x128xf32, #tpu.memory_space<hbm>>) dst(%dma_wait3A_301 : memref<128x128xf32, #tpu.memory_space<vmem>>)
    %dma_wait3A_312 = arith.constant 0 : i32
    %dma_wait3A_313 = arith.constant 0 : i32
    %dma_wait3A_314 = arith.constant 0 : i32
    %dma_wait3A_315 = arith.constant 0 : i32
    %dma_wait3A_316 = tpu.memref_slice %arg7[%dma_wait3A_312, %dma_wait3A_314, %dma_wait3A_315] : memref<2x128x64xf32, #tpu.memory_space<vmem>> -> memref<1x128x64xf32, #tpu.memory_space<vmem>>
    %dma_wait3A_317 = tpu.memref_squeeze %dma_wait3A_316 : memref<1x128x64xf32, #tpu.memory_space<vmem>> -> memref<128x64xf32, #tpu.memory_space<vmem>>
    %dma_wait3A_318 = arith.constant 0 : i32
    %dma_wait3A_319 = tpu.memref_slice %arg4[%mul3A_2, %dma_wait3A_318] : memref<819200x64xf32, #tpu.memory_space<hbm>> -> memref<128x64xf32, #tpu.memory_space<hbm>>
    %dma_wait3A_320 = tpu.memref_slice %arg10[%dma_wait3A_313] : memref<2x!tpu.dma_semaphore, #tpu.memory_space<semaphore_mem>> -> memref<1x!tpu.dma_semaphore, #tpu.memory_space<semaphore_mem>>
    %dma_wait3A_321 = tpu.memref_squeeze %dma_wait3A_320 : memref<1x!tpu.dma_semaphore, #tpu.memory_space<semaphore_mem>> -> memref<!tpu.dma_semaphore, #tpu.memory_space<semaphore_mem>>
    %dma_wait3A_322 = arith.constant 0 : i32
    %dma_wait3A_323 = tpu.memref_slice %arg4[%mul3A_2, %dma_wait3A_322] : memref<819200x64xf32, #tpu.memory_space<hbm>> -> memref<128x64xf32, #tpu.memory_space<hbm>>
    %dma_wait3A_324 = arith.constant 0 : i32
    %dma_wait3A_325 = arith.constant 0 : i32
    %dma_wait3A_326 = tpu.memref_slice %arg7[%dma_wait3A_312, %dma_wait3A_324, %dma_wait3A_325] : memref<2x128x64xf32, #tpu.memory_space<vmem>> -> memref<1x128x64xf32, #tpu.memory_space<vmem>>
    %dma_wait3A_327 = tpu.memref_squeeze %dma_wait3A_326 : memref<1x128x64xf32, #tpu.memory_space<vmem>> -> memref<128x64xf32, #tpu.memory_space<vmem>>
    tpu.wait_dma2 semaphore(%dma_wait3A_321 : memref<!tpu.dma_semaphore, #tpu.memory_space<semaphore_mem>>) src(%dma_wait3A_327 : memref<128x64xf32, #tpu.memory_space<vmem>>) dst(%dma_wait3A_323 : memref<128x64xf32, #tpu.memory_space<hbm>>)
    %scan3A_328 = arith.constant 0 : i32
    %scan3A_329 = arith.constant 0 : i32
    %scan3A_330 = arith.constant 128 : i32
    %scan3A_331 = arith.addi %scan3A_329, %scan3A_330 : i32
    %scan3A_332 = arith.constant 1 : i32
    %scan3A_333 = scf.for %scan3A_443 = %scan3A_329 to %scan3A_331 step %scan3A_332 iter_args(%scan3A_444 = %scan3A_328) -> (i32)  : i32 {
      %get3A = arith.constant 0 : i32
      %get3A_445 = arith.index_cast %get3A : i32 to index
      %get3A_446 = arith.index_cast %scan3A_443 : i32 to index
      %get3A_447 = arith.constant 0 : index
      %get3A_448 = tpu.vector_load %arg6[%get3A_445, %get3A_446, %get3A_447] {strides = array<i32>} : memref<2x128x128xf32, #tpu.memory_space<vmem>>, vector<1x1x16xf32>,
      %get3A_449 = vector.shape_cast %get3A_448 : vector<1x1x16xf32> to vector<16xf32>
      %sign3A = tpu.bitcast %get3A_449 : vector<16xf32> -> vector<16xi32>
      %sign3A_450 = arith.constant -2147483648 : i32
      %sign3A_451 = vector.broadcast %sign3A_450 : i32 to vector<16xi32>
      %sign3A_452 = arith.andi %sign3A, %sign3A_451 : vector<16xi32>
      %sign3A_453 = arith.constant 1065353216 : i32
      %sign3A_454 = vector.broadcast %sign3A_453 : i32 to vector<16xi32>
      %sign3A_455 = arith.ori %sign3A_454, %sign3A_452 : vector<16xi32>
      %sign3A_456 = tpu.bitcast %sign3A_455 : vector<16xi32> -> vector<16xf32>
      %sign3A_457 = math.absf %get3A_449 : vector<16xf32>
      %sign3A_458 = arith.constant 0.000000e+00 : f32
      %sign3A_459 = vector.broadcast %sign3A_458 : f32 to vector<16xf32>
      %sign3A_460 = arith.cmpf ogt, %sign3A_457, %sign3A_459 : vector<16xf32>
      %sign3A_461 = arith.select %sign3A_460, %sign3A_456, %get3A_449 : vector<16xi1>, vector<16xf32>
      %swap3A = arith.constant 0 : i32
      %swap3A_462 = arith.index_cast %swap3A : i32 to index
      %swap3A_463 = arith.index_cast %scan3A_443 : i32 to index
      %swap3A_464 = arith.constant 0 : index
      %swap3A_465 = tpu.vector_load %arg7[%swap3A_462, %swap3A_463, %swap3A_464] {strides = array<i32>} : memref<2x128x64xf32, #tpu.memory_space<vmem>>, vector<1x1x16xf32>,
      %swap3A_466 = vector.shape_cast %swap3A_465 : vector<1x1x16xf32> to vector<16xf32>
      %swap3A_467 = vector.shape_cast %sign3A_461 : vector<16xf32> to vector<1x1x16xf32>
      tpu.vector_store %arg7[%swap3A_462, %swap3A_463, %swap3A_464], %swap3A_467 {strides = array<i32>} : memref<2x128x64xf32, #tpu.memory_space<vmem>>, vector<1x1x16xf32>,
      %get3A_468 = arith.constant 0 : i32
      %get3A_469 = arith.index_cast %get3A_468 : i32 to index
      %get3A_470 = arith.index_cast %scan3A_443 : i32 to index
      %get3A_471 = arith.constant 16 : index
      %get3A_472 = tpu.vector_load %arg6[%get3A_469, %get3A_470, %get3A_471] {strides = array<i32>} : memref<2x128x128xf32, #tpu.memory_space<vmem>>, vector<1x1x16xf32>,
      %get3A_473 = vector.shape_cast %get3A_472 : vector<1x1x16xf32> to vector<16xf32>
      %sign3A_474 = tpu.bitcast %get3A_473 : vector<16xf32> -> vector<16xi32>
      %sign3A_475 = arith.constant -2147483648 : i32
      %sign3A_476 = vector.broadcast %sign3A_475 : i32 to vector<16xi32>
      %sign3A_477 = arith.andi %sign3A_474, %sign3A_476 : vector<16xi32>
      %sign3A_478 = arith.constant 1065353216 : i32
      %sign3A_479 = vector.broadcast %sign3A_478 : i32 to vector<16xi32>
      %sign3A_480 = arith.ori %sign3A_479, %sign3A_477 : vector<16xi32>
      %sign3A_481 = tpu.bitcast %sign3A_480 : vector<16xi32> -> vector<16xf32>
      %sign3A_482 = math.absf %get3A_473 : vector<16xf32>
      %sign3A_483 = arith.constant 0.000000e+00 : f32
      %sign3A_484 = vector.broadcast %sign3A_483 : f32 to vector<16xf32>
      %sign3A_485 = arith.cmpf ogt, %sign3A_482, %sign3A_484 : vector<16xf32>
      %sign3A_486 = arith.select %sign3A_485, %sign3A_481, %get3A_473 : vector<16xi1>, vector<16xf32>
      %swap3A_487 = arith.constant 0 : i32
      %swap3A_488 = arith.index_cast %swap3A_487 : i32 to index
      %swap3A_489 = arith.index_cast %scan3A_443 : i32 to index
      %swap3A_490 = arith.constant 16 : index
      %swap3A_491 = tpu.vector_load %arg7[%swap3A_488, %swap3A_489, %swap3A_490] {strides = array<i32>} : memref<2x128x64xf32, #tpu.memory_space<vmem>>, vector<1x1x16xf32>,
      %swap3A_492 = vector.shape_cast %swap3A_491 : vector<1x1x16xf32> to vector<16xf32>
      %swap3A_493 = vector.shape_cast %sign3A_486 : vector<16xf32> to vector<1x1x16xf32>
      tpu.vector_store %arg7[%swap3A_488, %swap3A_489, %swap3A_490], %swap3A_493 {strides = array<i32>} : memref<2x128x64xf32, #tpu.memory_space<vmem>>, vector<1x1x16xf32>,
      %get3A_494 = arith.constant 0 : i32
      %get3A_495 = arith.index_cast %get3A_494 : i32 to index
      %get3A_496 = arith.index_cast %scan3A_443 : i32 to index
      %get3A_497 = arith.constant 32 : index
      %get3A_498 = tpu.vector_load %arg6[%get3A_495, %get3A_496, %get3A_497] {strides = array<i32>} : memref<2x128x128xf32, #tpu.memory_space<vmem>>, vector<1x1x16xf32>,
      %get3A_499 = vector.shape_cast %get3A_498 : vector<1x1x16xf32> to vector<16xf32>
      %sign3A_500 = tpu.bitcast %get3A_499 : vector<16xf32> -> vector<16xi32>
      %sign3A_501 = arith.constant -2147483648 : i32
      %sign3A_502 = vector.broadcast %sign3A_501 : i32 to vector<16xi32>
      %sign3A_503 = arith.andi %sign3A_500, %sign3A_502 : vector<16xi32>
      %sign3A_504 = arith.constant 1065353216 : i32
      %sign3A_505 = vector.broadcast %sign3A_504 : i32 to vector<16xi32>
      %sign3A_506 = arith.ori %sign3A_505, %sign3A_503 : vector<16xi32>
      %sign3A_507 = tpu.bitcast %sign3A_506 : vector<16xi32> -> vector<16xf32>
      %sign3A_508 = math.absf %get3A_499 : vector<16xf32>
      %sign3A_509 = arith.constant 0.000000e+00 : f32
      %sign3A_510 = vector.broadcast %sign3A_509 : f32 to vector<16xf32>
      %sign3A_511 = arith.cmpf ogt, %sign3A_508, %sign3A_510 : vector<16xf32>
      %sign3A_512 = arith.select %sign3A_511, %sign3A_507, %get3A_499 : vector<16xi1>, vector<16xf32>
      %swap3A_513 = arith.constant 0 : i32
      %swap3A_514 = arith.index_cast %swap3A_513 : i32 to index
      %swap3A_515 = arith.index_cast %scan3A_443 : i32 to index
      %swap3A_516 = arith.constant 32 : index
      %swap3A_517 = tpu.vector_load %arg7[%swap3A_514, %swap3A_515, %swap3A_516] {strides = array<i32>} : memref<2x128x64xf32, #tpu.memory_space<vmem>>, vector<1x1x16xf32>,
      %swap3A_518 = vector.shape_cast %swap3A_517 : vector<1x1x16xf32> to vector<16xf32>
      %swap3A_519 = vector.shape_cast %sign3A_512 : vector<16xf32> to vector<1x1x16xf32>
      tpu.vector_store %arg7[%swap3A_514, %swap3A_515, %swap3A_516], %swap3A_519 {strides = array<i32>} : memref<2x128x64xf32, #tpu.memory_space<vmem>>, vector<1x1x16xf32>,
      %get3A_520 = arith.constant 0 : i32
      %get3A_521 = arith.index_cast %get3A_520 : i32 to index
      %get3A_522 = arith.index_cast %scan3A_443 : i32 to index
      %get3A_523 = arith.constant 48 : index
      %get3A_524 = tpu.vector_load %arg6[%get3A_521, %get3A_522, %get3A_523] {strides = array<i32>} : memref<2x128x128xf32, #tpu.memory_space<vmem>>, vector<1x1x16xf32>,
      %get3A_525 = vector.shape_cast %get3A_524 : vector<1x1x16xf32> to vector<16xf32>
      %sign3A_526 = tpu.bitcast %get3A_525 : vector<16xf32> -> vector<16xi32>
      %sign3A_527 = arith.constant -2147483648 : i32
      %sign3A_528 = vector.broadcast %sign3A_527 : i32 to vector<16xi32>
      %sign3A_529 = arith.andi %sign3A_526, %sign3A_528 : vector<16xi32>
      %sign3A_530 = arith.constant 1065353216 : i32
      %sign3A_531 = vector.broadcast %sign3A_530 : i32 to vector<16xi32>
      %sign3A_532 = arith.ori %sign3A_531, %sign3A_529 : vector<16xi32>
      %sign3A_533 = tpu.bitcast %sign3A_532 : vector<16xi32> -> vector<16xf32>
      %sign3A_534 = math.absf %get3A_525 : vector<16xf32>
      %sign3A_535 = arith.constant 0.000000e+00 : f32
      %sign3A_536 = vector.broadcast %sign3A_535 : f32 to vector<16xf32>
      %sign3A_537 = arith.cmpf ogt, %sign3A_534, %sign3A_536 : vector<16xf32>
      %sign3A_538 = arith.select %sign3A_537, %sign3A_533, %get3A_525 : vector<16xi1>, vector<16xf32>
      %swap3A_539 = arith.constant 0 : i32
      %swap3A_540 = arith.index_cast %swap3A_539 : i32 to index
      %swap3A_541 = arith.index_cast %scan3A_443 : i32 to index
      %swap3A_542 = arith.constant 48 : index
      %swap3A_543 = tpu.vector_load %arg7[%swap3A_540, %swap3A_541, %swap3A_542] {strides = array<i32>} : memref<2x128x64xf32, #tpu.memory_space<vmem>>, vector<1x1x16xf32>,
      %swap3A_544 = vector.shape_cast %swap3A_543 : vector<1x1x16xf32> to vector<16xf32>
      %swap3A_545 = vector.shape_cast %sign3A_538 : vector<16xf32> to vector<1x1x16xf32>
      tpu.vector_store %arg7[%swap3A_540, %swap3A_541, %swap3A_542], %swap3A_545 {strides = array<i32>} : memref<2x128x64xf32, #tpu.memory_space<vmem>>, vector<1x1x16xf32>,
      %scan3A_546 = arith.constant 0 : i32
      scf.yield %scan3A_546 : i32
    }
    %scan3A_334 = arith.constant 128 : i32
    %add3A_335 = arith.constant 25344 : i32
    %add3A_336 = arith.addi %mul3A_2, %add3A_335 : i32
    %dma_start3A_337 = arith.constant 0 : i32
    %dma_start3A_338 = arith.constant 0 : i32
    %dma_start3A_339 = arith.constant 0 : i32
    %dma_start3A_340 = arith.constant 0 : i32
    %dma_start3A_341 = tpu.memref_slice %arg7[%dma_start3A_337, %dma_start3A_339, %dma_start3A_340] : memref<2x128x64xf32, #tpu.memory_space<vmem>> -> memref<1x128x64xf32, #tpu.memory_space<vmem>>
    %dma_start3A_342 = tpu.memref_squeeze %dma_start3A_341 : memref<1x128x64xf32, #tpu.memory_space<vmem>> -> memref<128x64xf32, #tpu.memory_space<vmem>>
    %dma_start3A_343 = arith.constant 0 : i32
    %dma_start3A_344 = tpu.memref_slice %arg4[%add3A_336, %dma_start3A_343] : memref<819200x64xf32, #tpu.memory_space<hbm>> -> memref<128x64xf32, #tpu.memory_space<hbm>>
    %dma_start3A_345 = tpu.memref_slice %arg10[%dma_start3A_338] : memref<2x!tpu.dma_semaphore, #tpu.memory_space<semaphore_mem>> -> memref<1x!tpu.dma_semaphore, #tpu.memory_space<semaphore_mem>>
    %dma_start3A_346 = tpu.memref_squeeze %dma_start3A_345 : memref<1x!tpu.dma_semaphore, #tpu.memory_space<semaphore_mem>> -> memref<!tpu.dma_semaphore, #tpu.memory_space<semaphore_mem>>
    %dma_start3A_347 = arith.constant 0 : i32
    %dma_start3A_348 = tpu.memref_slice %arg4[%add3A_336, %dma_start3A_347] : memref<819200x64xf32, #tpu.memory_space<hbm>> -> memref<128x64xf32, #tpu.memory_space<hbm>>
    %dma_start3A_349 = arith.constant 0 : i32
    %dma_start3A_350 = arith.constant 0 : i32
    %dma_start3A_351 = tpu.memref_slice %arg7[%dma_start3A_337, %dma_start3A_349, %dma_start3A_350] : memref<2x128x64xf32, #tpu.memory_space<vmem>> -> memref<1x128x64xf32, #tpu.memory_space<vmem>>
    %dma_start3A_352 = tpu.memref_squeeze %dma_start3A_351 : memref<1x128x64xf32, #tpu.memory_space<vmem>> -> memref<128x64xf32, #tpu.memory_space<vmem>>
    tpu.enqueue_dma source(%dma_start3A_352 : memref<128x64xf32, #tpu.memory_space<vmem>>) target(%dma_start3A_348 : memref<128x64xf32, #tpu.memory_space<hbm>>) target_semaphore(%dma_start3A_346 : memref<!tpu.dma_semaphore, #tpu.memory_space<semaphore_mem>>)
    %dma_wait3A_353 = arith.constant 1 : i32
    %dma_wait3A_354 = arith.constant 1 : i32
    %dma_wait3A_355 = arith.constant 1 : i32
    %dma_wait3A_356 = arith.constant 0 : i32
    %dma_wait3A_357 = arith.constant 0 : i32
    %dma_wait3A_358 = tpu.memref_slice %arg6[%dma_wait3A_354, %dma_wait3A_356, %dma_wait3A_357] : memref<2x128x128xf32, #tpu.memory_space<vmem>> -> memref<1x128x128xf32, #tpu.memory_space<vmem>>
    %dma_wait3A_359 = tpu.memref_squeeze %dma_wait3A_358 : memref<1x128x128xf32, #tpu.memory_space<vmem>> -> memref<128x128xf32, #tpu.memory_space<vmem>>
    %dma_wait3A_360 = arith.constant 0 : i32
    %dma_wait3A_361 = tpu.memref_slice %arg5[%dma_wait3A_353, %dma_wait3A_360] : memref<2x256xi32, #tpu.memory_space<vmem>> -> memref<1x256xi32, #tpu.memory_space<vmem>>
    %dma_wait3A_362 = tpu.memref_squeeze %dma_wait3A_361 : memref<1x256xi32, #tpu.memory_space<vmem>> -> memref<256xi32, #tpu.memory_space<vmem>>
    %dma_wait3A_363 = arith.constant 0 : i32
    %dma_wait3A_364 = tpu.memref_slice %dma_wait3A_362[%dma_wait3A_363] : memref<256xi32, #tpu.memory_space<vmem>> -> memref<128xi32, #tpu.memory_space<vmem>>
    %dma_wait3A_365 = arith.constant 0 : i32
    %dma_wait3A_366 = arith.constant 0 : i32
    %dma_wait3A_367 = tpu.memref_slice %arg3[%dma_wait3A_365, %dma_wait3A_366] : memref<1000000x128xf32, #tpu.memory_space<hbm>> -> memref<1000000x128xf32, #tpu.memory_space<hbm>>
    %dma_wait3A_368 = tpu.memref_slice %arg9[%dma_wait3A_355] : memref<2x!tpu.dma_semaphore, #tpu.memory_space<semaphore_mem>> -> memref<1x!tpu.dma_semaphore, #tpu.memory_space<semaphore_mem>>
    %dma_wait3A_369 = tpu.memref_squeeze %dma_wait3A_368 : memref<1x!tpu.dma_semaphore, #tpu.memory_space<semaphore_mem>> -> memref<!tpu.dma_semaphore, #tpu.memory_space<semaphore_mem>>
    tpu.wait_indirect_dma semaphore(%dma_wait3A_369 : memref<!tpu.dma_semaphore, #tpu.memory_space<semaphore_mem>>) src(%dma_wait3A_367 : memref<1000000x128xf32, #tpu.memory_space<hbm>>) dst(%dma_wait3A_359 : memref<128x128xf32, #tpu.memory_space<vmem>>)
    %dma_wait3A_370 = arith.constant 1 : i32
    %dma_wait3A_371 = arith.constant 1 : i32
    %dma_wait3A_372 = arith.constant 0 : i32
    %dma_wait3A_373 = arith.constant 0 : i32
    %dma_wait3A_374 = tpu.memref_slice %arg7[%dma_wait3A_370, %dma_wait3A_372, %dma_wait3A_373] : memref<2x128x64xf32, #tpu.memory_space<vmem>> -> memref<1x128x64xf32, #tpu.memory_space<vmem>>
    %dma_wait3A_375 = tpu.memref_squeeze %dma_wait3A_374 : memref<1x128x64xf32, #tpu.memory_space<vmem>> -> memref<128x64xf32, #tpu.memory_space<vmem>>
    %dma_wait3A_376 = arith.constant 0 : i32
    %dma_wait3A_377 = tpu.memref_slice %arg4[%mul3A_2, %dma_wait3A_376] : memref<819200x64xf32, #tpu.memory_space<hbm>> -> memref<128x64xf32, #tpu.memory_space<hbm>>
    %dma_wait3A_378 = tpu.memref_slice %arg10[%dma_wait3A_371] : memref<2x!tpu.dma_semaphore, #tpu.memory_space<semaphore_mem>> -> memref<1x!tpu.dma_semaphore, #tpu.memory_space<semaphore_mem>>
    %dma_wait3A_379 = tpu.memref_squeeze %dma_wait3A_378 : memref<1x!tpu.dma_semaphore, #tpu.memory_space<semaphore_mem>> -> memref<!tpu.dma_semaphore, #tpu.memory_space<semaphore_mem>>
    %dma_wait3A_380 = arith.constant 0 : i32
    %dma_wait3A_381 = tpu.memref_slice %arg4[%mul3A_2, %dma_wait3A_380] : memref<819200x64xf32, #tpu.memory_space<hbm>> -> memref<128x64xf32, #tpu.memory_space<hbm>>
    %dma_wait3A_382 = arith.constant 0 : i32
    %dma_wait3A_383 = arith.constant 0 : i32
    %dma_wait3A_384 = tpu.memref_slice %arg7[%dma_wait3A_370, %dma_wait3A_382, %dma_wait3A_383] : memref<2x128x64xf32, #tpu.memory_space<vmem>> -> memref<1x128x64xf32, #tpu.memory_space<vmem>>
    %dma_wait3A_385 = tpu.memref_squeeze %dma_wait3A_384 : memref<1x128x64xf32, #tpu.memory_space<vmem>> -> memref<128x64xf32, #tpu.memory_space<vmem>>
    tpu.wait_dma2 semaphore(%dma_wait3A_379 : memref<!tpu.dma_semaphore, #tpu.memory_space<semaphore_mem>>) src(%dma_wait3A_385 : memref<128x64xf32, #tpu.memory_space<vmem>>) dst(%dma_wait3A_381 : memref<128x64xf32, #tpu.memory_space<hbm>>)
    %scan3A_386 = arith.constant 0 : i32
    %scan3A_387 = arith.constant 0 : i32
    %scan3A_388 = arith.constant 128 : i32
    %scan3A_389 = arith.addi %scan3A_387, %scan3A_388 : i32
    %scan3A_390 = arith.constant 1 : i32
    %scan3A_391 = scf.for %scan3A_443 = %scan3A_387 to %scan3A_389 step %scan3A_390 iter_args(%scan3A_444 = %scan3A_386) -> (i32)  : i32 {
      %get3A = arith.constant 1 : i32
      %get3A_445 = arith.index_cast %get3A : i32 to index
      %get3A_446 = arith.index_cast %scan3A_443 : i32 to index
      %get3A_447 = arith.constant 0 : index
      %get3A_448 = tpu.vector_load %arg6[%get3A_445, %get3A_446, %get3A_447] {strides = array<i32>} : memref<2x128x128xf32, #tpu.memory_space<vmem>>, vector<1x1x16xf32>,
      %get3A_449 = vector.shape_cast %get3A_448 : vector<1x1x16xf32> to vector<16xf32>
      %sign3A = tpu.bitcast %get3A_449 : vector<16xf32> -> vector<16xi32>
      %sign3A_450 = arith.constant -2147483648 : i32
      %sign3A_451 = vector.broadcast %sign3A_450 : i32 to vector<16xi32>
      %sign3A_452 = arith.andi %sign3A, %sign3A_451 : vector<16xi32>
      %sign3A_453 = arith.constant 1065353216 : i32
      %sign3A_454 = vector.broadcast %sign3A_453 : i32 to vector<16xi32>
      %sign3A_455 = arith.ori %sign3A_454, %sign3A_452 : vector<16xi32>
      %sign3A_456 = tpu.bitcast %sign3A_455 : vector<16xi32> -> vector<16xf32>
      %sign3A_457 = math.absf %get3A_449 : vector<16xf32>
      %sign3A_458 = arith.constant 0.000000e+00 : f32
      %sign3A_459 = vector.broadcast %sign3A_458 : f32 to vector<16xf32>
      %sign3A_460 = arith.cmpf ogt, %sign3A_457, %sign3A_459 : vector<16xf32>
      %sign3A_461 = arith.select %sign3A_460, %sign3A_456, %get3A_449 : vector<16xi1>, vector<16xf32>
      %swap3A = arith.constant 1 : i32
      %swap3A_462 = arith.index_cast %swap3A : i32 to index
      %swap3A_463 = arith.index_cast %scan3A_443 : i32 to index
      %swap3A_464 = arith.constant 0 : index
      %swap3A_465 = tpu.vector_load %arg7[%swap3A_462, %swap3A_463, %swap3A_464] {strides = array<i32>} : memref<2x128x64xf32, #tpu.memory_space<vmem>>, vector<1x1x16xf32>,
      %swap3A_466 = vector.shape_cast %swap3A_465 : vector<1x1x16xf32> to vector<16xf32>
      %swap3A_467 = vector.shape_cast %sign3A_461 : vector<16xf32> to vector<1x1x16xf32>
      tpu.vector_store %arg7[%swap3A_462, %swap3A_463, %swap3A_464], %swap3A_467 {strides = array<i32>} : memref<2x128x64xf32, #tpu.memory_space<vmem>>, vector<1x1x16xf32>,
      %get3A_468 = arith.constant 1 : i32
      %get3A_469 = arith.index_cast %get3A_468 : i32 to index
      %get3A_470 = arith.index_cast %scan3A_443 : i32 to index
      %get3A_471 = arith.constant 16 : index
      %get3A_472 = tpu.vector_load %arg6[%get3A_469, %get3A_470, %get3A_471] {strides = array<i32>} : memref<2x128x128xf32, #tpu.memory_space<vmem>>, vector<1x1x16xf32>,
      %get3A_473 = vector.shape_cast %get3A_472 : vector<1x1x16xf32> to vector<16xf32>
      %sign3A_474 = tpu.bitcast %get3A_473 : vector<16xf32> -> vector<16xi32>
      %sign3A_475 = arith.constant -2147483648 : i32
      %sign3A_476 = vector.broadcast %sign3A_475 : i32 to vector<16xi32>
      %sign3A_477 = arith.andi %sign3A_474, %sign3A_476 : vector<16xi32>
      %sign3A_478 = arith.constant 1065353216 : i32
      %sign3A_479 = vector.broadcast %sign3A_478 : i32 to vector<16xi32>
      %sign3A_480 = arith.ori %sign3A_479, %sign3A_477 : vector<16xi32>
      %sign3A_481 = tpu.bitcast %sign3A_480 : vector<16xi32> -> vector<16xf32>
      %sign3A_482 = math.absf %get3A_473 : vector<16xf32>
      %sign3A_483 = arith.constant 0.000000e+00 : f32
      %sign3A_484 = vector.broadcast %sign3A_483 : f32 to vector<16xf32>
      %sign3A_485 = arith.cmpf ogt, %sign3A_482, %sign3A_484 : vector<16xf32>
      %sign3A_486 = arith.select %sign3A_485, %sign3A_481, %get3A_473 : vector<16xi1>, vector<16xf32>
      %swap3A_487 = arith.constant 1 : i32
      %swap3A_488 = arith.index_cast %swap3A_487 : i32 to index
      %swap3A_489 = arith.index_cast %scan3A_443 : i32 to index
      %swap3A_490 = arith.constant 16 : index
      %swap3A_491 = tpu.vector_load %arg7[%swap3A_488, %swap3A_489, %swap3A_490] {strides = array<i32>} : memref<2x128x64xf32, #tpu.memory_space<vmem>>, vector<1x1x16xf32>,
      %swap3A_492 = vector.shape_cast %swap3A_491 : vector<1x1x16xf32> to vector<16xf32>
      %swap3A_493 = vector.shape_cast %sign3A_486 : vector<16xf32> to vector<1x1x16xf32>
      tpu.vector_store %arg7[%swap3A_488, %swap3A_489, %swap3A_490], %swap3A_493 {strides = array<i32>} : memref<2x128x64xf32, #tpu.memory_space<vmem>>, vector<1x1x16xf32>,
      %get3A_494 = arith.constant 1 : i32
      %get3A_495 = arith.index_cast %get3A_494 : i32 to index
      %get3A_496 = arith.index_cast %scan3A_443 : i32 to index
      %get3A_497 = arith.constant 32 : index
      %get3A_498 = tpu.vector_load %arg6[%get3A_495, %get3A_496, %get3A_497] {strides = array<i32>} : memref<2x128x128xf32, #tpu.memory_space<vmem>>, vector<1x1x16xf32>,
      %get3A_499 = vector.shape_cast %get3A_498 : vector<1x1x16xf32> to vector<16xf32>
      %sign3A_500 = tpu.bitcast %get3A_499 : vector<16xf32> -> vector<16xi32>
      %sign3A_501 = arith.constant -2147483648 : i32
      %sign3A_502 = vector.broadcast %sign3A_501 : i32 to vector<16xi32>
      %sign3A_503 = arith.andi %sign3A_500, %sign3A_502 : vector<16xi32>
      %sign3A_504 = arith.constant 1065353216 : i32
      %sign3A_505 = vector.broadcast %sign3A_504 : i32 to vector<16xi32>
      %sign3A_506 = arith.ori %sign3A_505, %sign3A_503 : vector<16xi32>
      %sign3A_507 = tpu.bitcast %sign3A_506 : vector<16xi32> -> vector<16xf32>
      %sign3A_508 = math.absf %get3A_499 : vector<16xf32>
      %sign3A_509 = arith.constant 0.000000e+00 : f32
      %sign3A_510 = vector.broadcast %sign3A_509 : f32 to vector<16xf32>
      %sign3A_511 = arith.cmpf ogt, %sign3A_508, %sign3A_510 : vector<16xf32>
      %sign3A_512 = arith.select %sign3A_511, %sign3A_507, %get3A_499 : vector<16xi1>, vector<16xf32>
      %swap3A_513 = arith.constant 1 : i32
      %swap3A_514 = arith.index_cast %swap3A_513 : i32 to index
      %swap3A_515 = arith.index_cast %scan3A_443 : i32 to index
      %swap3A_516 = arith.constant 32 : index
      %swap3A_517 = tpu.vector_load %arg7[%swap3A_514, %swap3A_515, %swap3A_516] {strides = array<i32>} : memref<2x128x64xf32, #tpu.memory_space<vmem>>, vector<1x1x16xf32>,
      %swap3A_518 = vector.shape_cast %swap3A_517 : vector<1x1x16xf32> to vector<16xf32>
      %swap3A_519 = vector.shape_cast %sign3A_512 : vector<16xf32> to vector<1x1x16xf32>
      tpu.vector_store %arg7[%swap3A_514, %swap3A_515, %swap3A_516], %swap3A_519 {strides = array<i32>} : memref<2x128x64xf32, #tpu.memory_space<vmem>>, vector<1x1x16xf32>,
      %get3A_520 = arith.constant 1 : i32
      %get3A_521 = arith.index_cast %get3A_520 : i32 to index
      %get3A_522 = arith.index_cast %scan3A_443 : i32 to index
      %get3A_523 = arith.constant 48 : index
      %get3A_524 = tpu.vector_load %arg6[%get3A_521, %get3A_522, %get3A_523] {strides = array<i32>} : memref<2x128x128xf32, #tpu.memory_space<vmem>>, vector<1x1x16xf32>,
      %get3A_525 = vector.shape_cast %get3A_524 : vector<1x1x16xf32> to vector<16xf32>
      %sign3A_526 = tpu.bitcast %get3A_525 : vector<16xf32> -> vector<16xi32>
      %sign3A_527 = arith.constant -2147483648 : i32
      %sign3A_528 = vector.broadcast %sign3A_527 : i32 to vector<16xi32>
      %sign3A_529 = arith.andi %sign3A_526, %sign3A_528 : vector<16xi32>
      %sign3A_530 = arith.constant 1065353216 : i32
      %sign3A_531 = vector.broadcast %sign3A_530 : i32 to vector<16xi32>
      %sign3A_532 = arith.ori %sign3A_531, %sign3A_529 : vector<16xi32>
      %sign3A_533 = tpu.bitcast %sign3A_532 : vector<16xi32> -> vector<16xf32>
      %sign3A_534 = math.absf %get3A_525 : vector<16xf32>
      %sign3A_535 = arith.constant 0.000000e+00 : f32
      %sign3A_536 = vector.broadcast %sign3A_535 : f32 to vector<16xf32>
      %sign3A_537 = arith.cmpf ogt, %sign3A_534, %sign3A_536 : vector<16xf32>
      %sign3A_538 = arith.select %sign3A_537, %sign3A_533, %get3A_525 : vector<16xi1>, vector<16xf32>
      %swap3A_539 = arith.constant 1 : i32
      %swap3A_540 = arith.index_cast %swap3A_539 : i32 to index
      %swap3A_541 = arith.index_cast %scan3A_443 : i32 to index
      %swap3A_542 = arith.constant 48 : index
      %swap3A_543 = tpu.vector_load %arg7[%swap3A_540, %swap3A_541, %swap3A_542] {strides = array<i32>} : memref<2x128x64xf32, #tpu.memory_space<vmem>>, vector<1x1x16xf32>,
      %swap3A_544 = vector.shape_cast %swap3A_543 : vector<1x1x16xf32> to vector<16xf32>
      %swap3A_545 = vector.shape_cast %sign3A_538 : vector<16xf32> to vector<1x1x16xf32>
      tpu.vector_store %arg7[%swap3A_540, %swap3A_541, %swap3A_542], %swap3A_545 {strides = array<i32>} : memref<2x128x64xf32, #tpu.memory_space<vmem>>, vector<1x1x16xf32>,
      %scan3A_546 = arith.constant 0 : i32
      scf.yield %scan3A_546 : i32
    }
    %scan3A_392 = arith.constant 128 : i32
    %add3A_393 = arith.constant 25472 : i32
    %add3A_394 = arith.addi %mul3A_2, %add3A_393 : i32
    %dma_start3A_395 = arith.constant 1 : i32
    %dma_start3A_396 = arith.constant 1 : i32
    %dma_start3A_397 = arith.constant 0 : i32
    %dma_start3A_398 = arith.constant 0 : i32
    %dma_start3A_399 = tpu.memref_slice %arg7[%dma_start3A_395, %dma_start3A_397, %dma_start3A_398] : memref<2x128x64xf32, #tpu.memory_space<vmem>> -> memref<1x128x64xf32, #tpu.memory_space<vmem>>
    %dma_start3A_400 = tpu.memref_squeeze %dma_start3A_399 : memref<1x128x64xf32, #tpu.memory_space<vmem>> -> memref<128x64xf32, #tpu.memory_space<vmem>>
    %dma_start3A_401 = arith.constant 0 : i32
    %dma_start3A_402 = tpu.memref_slice %arg4[%add3A_394, %dma_start3A_401] : memref<819200x64xf32, #tpu.memory_space<hbm>> -> memref<128x64xf32, #tpu.memory_space<hbm>>
    %dma_start3A_403 = tpu.memref_slice %arg10[%dma_start3A_396] : memref<2x!tpu.dma_semaphore, #tpu.memory_space<semaphore_mem>> -> memref<1x!tpu.dma_semaphore, #tpu.memory_space<semaphore_mem>>
    %dma_start3A_404 = tpu.memref_squeeze %dma_start3A_403 : memref<1x!tpu.dma_semaphore, #tpu.memory_space<semaphore_mem>> -> memref<!tpu.dma_semaphore, #tpu.memory_space<semaphore_mem>>
    %dma_start3A_405 = arith.constant 0 : i32
    %dma_start3A_406 = tpu.memref_slice %arg4[%add3A_394, %dma_start3A_405] : memref<819200x64xf32, #tpu.memory_space<hbm>> -> memref<128x64xf32, #tpu.memory_space<hbm>>
    %dma_start3A_407 = arith.constant 0 : i32
    %dma_start3A_408 = arith.constant 0 : i32
    %dma_start3A_409 = tpu.memref_slice %arg7[%dma_start3A_395, %dma_start3A_407, %dma_start3A_408] : memref<2x128x64xf32, #tpu.memory_space<vmem>> -> memref<1x128x64xf32, #tpu.memory_space<vmem>>
    %dma_start3A_410 = tpu.memref_squeeze %dma_start3A_409 : memref<1x128x64xf32, #tpu.memory_space<vmem>> -> memref<128x64xf32, #tpu.memory_space<vmem>>
    tpu.enqueue_dma source(%dma_start3A_410 : memref<128x64xf32, #tpu.memory_space<vmem>>) target(%dma_start3A_406 : memref<128x64xf32, #tpu.memory_space<hbm>>) target_semaphore(%dma_start3A_404 : memref<!tpu.dma_semaphore, #tpu.memory_space<semaphore_mem>>)
    %dma_wait3A_411 = arith.constant 0 : i32
    %dma_wait3A_412 = arith.constant 0 : i32
    %dma_wait3A_413 = arith.constant 0 : i32
    %dma_wait3A_414 = arith.constant 0 : i32
    %dma_wait3A_415 = tpu.memref_slice %arg7[%dma_wait3A_411, %dma_wait3A_413, %dma_wait3A_414] : memref<2x128x64xf32, #tpu.memory_space<vmem>> -> memref<1x128x64xf32, #tpu.memory_space<vmem>>
    %dma_wait3A_416 = tpu.memref_squeeze %dma_wait3A_415 : memref<1x128x64xf32, #tpu.memory_space<vmem>> -> memref<128x64xf32, #tpu.memory_space<vmem>>
    %dma_wait3A_417 = arith.constant 0 : i32
    %dma_wait3A_418 = tpu.memref_slice %arg4[%mul3A_2, %dma_wait3A_417] : memref<819200x64xf32, #tpu.memory_space<hbm>> -> memref<128x64xf32, #tpu.memory_space<hbm>>
    %dma_wait3A_419 = tpu.memref_slice %arg10[%dma_wait3A_412] : memref<2x!tpu.dma_semaphore, #tpu.memory_space<semaphore_mem>> -> memref<1x!tpu.dma_semaphore, #tpu.memory_space<semaphore_mem>>
    %dma_wait3A_420 = tpu.memref_squeeze %dma_wait3A_419 : memref<1x!tpu.dma_semaphore, #tpu.memory_space<semaphore_mem>> -> memref<!tpu.dma_semaphore, #tpu.memory_space<semaphore_mem>>
    %dma_wait3A_421 = arith.constant 0 : i32
    %dma_wait3A_422 = tpu.memref_slice %arg4[%mul3A_2, %dma_wait3A_421] : memref<819200x64xf32, #tpu.memory_space<hbm>> -> memref<128x64xf32, #tpu.memory_space<hbm>>
    %dma_wait3A_423 = arith.constant 0 : i32
    %dma_wait3A_424 = arith.constant 0 : i32
    %dma_wait3A_425 = tpu.memref_slice %arg7[%dma_wait3A_411, %dma_wait3A_423, %dma_wait3A_424] : memref<2x128x64xf32, #tpu.memory_space<vmem>> -> memref<1x128x64xf32, #tpu.memory_space<vmem>>
    %dma_wait3A_426 = tpu.memref_squeeze %dma_wait3A_425 : memref<1x128x64xf32, #tpu.memory_space<vmem>> -> memref<128x64xf32, #tpu.memory_space<vmem>>
    tpu.wait_dma2 semaphore(%dma_wait3A_420 : memref<!tpu.dma_semaphore, #tpu.memory_space<semaphore_mem>>) src(%dma_wait3A_426 : memref<128x64xf32, #tpu.memory_space<vmem>>) dst(%dma_wait3A_422 : memref<128x64xf32, #tpu.memory_space<hbm>>)
    %dma_wait3A_427 = arith.constant 1 : i32
    %dma_wait3A_428 = arith.constant 1 : i32
    %dma_wait3A_429 = arith.constant 0 : i32
    %dma_wait3A_430 = arith.constant 0 : i32
    %dma_wait3A_431 = tpu.memref_slice %arg7[%dma_wait3A_427, %dma_wait3A_429, %dma_wait3A_430] : memref<2x128x64xf32, #tpu.memory_space<vmem>> -> memref<1x128x64xf32, #tpu.memory_space<vmem>>
    %dma_wait3A_432 = tpu.memref_squeeze %dma_wait3A_431 : memref<1x128x64xf32, #tpu.memory_space<vmem>> -> memref<128x64xf32, #tpu.memory_space<vmem>>
    %dma_wait3A_433 = arith.constant 0 : i32
    %dma_wait3A_434 = tpu.memref_slice %arg4[%mul3A_2, %dma_wait3A_433] : memref<819200x64xf32, #tpu.memory_space<hbm>> -> memref<128x64xf32, #tpu.memory_space<hbm>>
    %dma_wait3A_435 = tpu.memref_slice %arg10[%dma_wait3A_428] : memref<2x!tpu.dma_semaphore, #tpu.memory_space<semaphore_mem>> -> memref<1x!tpu.dma_semaphore, #tpu.memory_space<semaphore_mem>>
    %dma_wait3A_436 = tpu.memref_squeeze %dma_wait3A_435 : memref<1x!tpu.dma_semaphore, #tpu.memory_space<semaphore_mem>> -> memref<!tpu.dma_semaphore, #tpu.memory_space<semaphore_mem>>
    %dma_wait3A_437 = arith.constant 0 : i32
    %dma_wait3A_438 = tpu.memref_slice %arg4[%mul3A_2, %dma_wait3A_437] : memref<819200x64xf32, #tpu.memory_space<hbm>> -> memref<128x64xf32, #tpu.memory_space<hbm>>
    %dma_wait3A_439 = arith.constant 0 : i32
    %dma_wait3A_440 = arith.constant 0 : i32
    %dma_wait3A_441 = tpu.memref_slice %arg7[%dma_wait3A_427, %dma_wait3A_439, %dma_wait3A_440] : memref<2x128x64xf32, #tpu.memory_space<vmem>> -> memref<1x128x64xf32, #tpu.memory_space<vmem>>
    %dma_wait3A_442 = tpu.memref_squeeze %dma_wait3A_441 : memref<1x128x64xf32, #tpu.memory_space<vmem>> -> memref<128x64xf32, #tpu.memory_space<vmem>>
    tpu.wait_dma2 semaphore(%dma_wait3A_436 : memref<!tpu.dma_semaphore, #tpu.memory_space<semaphore_mem>>) src(%dma_wait3A_442 : memref<128x64xf32, #tpu.memory_space<vmem>>) dst(%dma_wait3A_438 : memref<128x64xf32, #tpu.memory_space<hbm>>)
    return
  }
}

</mosaic_0001>

<sc_bundles>
// kernel: kernel.3.cloned.1.call-start
scs
__scs_entry_jumppad:
0x0: {  	(pc) =	sbr.rel $0x88, $3  }
0x1: {  	(tag) =	ssettag $0x0;
	lr =	simm.s32 $0x1  }
0x2: {  	[smem:$0x3F9F] =	sst lr;
	_ =	strace $0xD0000000  }
0x3: {  	_ = 	snop  }
0x4: {  	_ = 	snop  }
0x5: {  	_ = 	snop  }
0x6: {  	_ = 	snop  }
0x7: {  	_ = 	snop  }
__scs_overlays_trampoline_lowered:
0x8: {  	[smem:$0x3FAE] =	sst s0  }
0x9: {  	[smem:$0x3FAF] =	sst s1  }
0xa: {  	[smem:$0x3FB0] =	sst s2  }
0xb: {  	[smem:$0x3FB1] =	sst s3  }
0xc: {  	[smem:$0x3FB2] =	sst s4  }
0xd: {  	[smem:$0x3FB3] =	sst s5  }
0xe: {  	[smem:$0x3FB4] =	sst s6  }
0xf: {  	[smem:$0x3FB5] =	sst s7  }
0x10: {  	[smem:$0x3FB6] =	sst s8  }
0x11: {  	[smem:$0x3FB7] =	sst s9;
	s0 =	simm.s32 @!p0 $0x0  }
0x12: {  	s1 =	sld [smem:$0x3F9D];
	s0 =	simm.s32 @p0 $0x1  }
0x13: {  	[smem:$0x3FB8] =	sst s0;
	s0 =	simm.s32 @!p1 $0x0  }
0x14: {  	s2 =	sld [smem:$0x3F9C];
	s0 =	simm.s32 @p1 $0x1  }
0x15: {  	[smem:$0x3FB9] =	sst s0;
	s0 =	simm.s32 @!p2 $0x0  }
0x16: {  	s3 =	sld [smem:$0x3FDB];
	s0 =	simm.s32 @p2 $0x1  }
0x17: {  	s4 =	simm.s32 $0x1BF5;
	[smem:$0x3FBB] =	sst s0  }
0x18: {  	s0 =	sld [smem:$0x3F9E];
	_ =	swait.ge [sflag:s4], $0x0  }
0x19: {  	s7 =	sld [smem:$0x3F9F]  }
0x1a: {  	s8 =	sadd.s32 $0xFFFFE003, lr  }
0x1b: {  	s9 =	sadd.s32 $0xFFFFFEF7, lr;
	s5 =	simm.s32 $0xFFFFFFFF;
	p2 =	slt.u32 s8, $0xFFFFF086  }
0x1c: {  	p1 =	slt.u32 s9, $0xF7A;
	s5 =	simm.s32 @!p2 $0x0  }
0x1d: {  	s5 =	simm.s32 @p1 $0x1;
	p0 =	seq.s32 s7, s2  }
0x1e: {  	s7 =	smul.u32 @!p0 $0xF7A, s2;
	p2 =	seq.s32 @!p0 s5, $0x0  }
0x1f: {  	s9 =	smul.u32 $0xF7A, s1;
	s8 =	simm.s32 @!p0 $0x1BF5;
	p2 =	por !p2, p0  }
0x20: {  	[sflag:s8] =	ssyncset.s32 @!p0 $0xFFFFF086;
	s6 =	sadd.s32 @!p0 s3, s7;
	s7 =	simm.s32 @!p0 $0x108  }
0x21: {  	s3 =	sadd.s32 s3, s9;
	s6 =	sadd.s32 @!p0 $0x88, s6;
	s7 =	simm.s32 @p2 $0x1082  }
0x22: {  	[simem:s7], [sflag:s8] =	dma.local @!p0 [hbm:s6], $0xF7A  }
0x23: {  	s9 =	sor.u32 $0xD0000000, s2;
	s6 =	simm.s32 $0x108;
	_ =	swait.ge @!p0 [sflag:s8], $0x0  }
0x24: {  	s3 =	sadd.s32 $0x88, s3;
	s6 =	simm.s32 @!p1 $0x1082;
	[sflag:s4] =	ssyncset.s32 $0xFFFFF086  }
0x25: {  	[simem:s6], [sflag:s4] =	dma.local [hbm:s3], $0xF7A  }
0x26: {  	[smem:$0x3F9F] =	sst s1;
	(tag) =	ssettag s2;
	_ =	strace s9  }
0x27: {  	s1 =	sld [smem:$0x3FAF]  }
0x28: {  	s2 =	sld [smem:$0x3FB0]  }
0x29: {  	s4 =	sld [smem:$0x3FB2]  }
0x2a: {  	p0 =	seq.s32 s5, $0x0;
	s5 =	sld [smem:$0x3FB3]  }
0x2b: {  	s6 =	sld [smem:$0x3FB4]  }
0x2c: {  	s7 =	sld [smem:$0x3FB5]  }
0x2d: {  	s3 =	simm.s32 $0x108;
	s8 =	sld [smem:$0x3FB6]  }
0x2e: {  	s3 =	simm.s32 @!p0 $0x1082;
	s9 =	sld [smem:$0x3FB7]  }
0x2f: {  	lr =	sadd.s32 s0, s3;
	s0 =	sld [smem:$0x3FAE]  }
0x30: {  	s3 =	sld [smem:$0x3FB1]  }
0x31: {  	[smem:$0x3FBA] =	sst s10  }
0x32: {  	s10 =	sld [smem:$0x3FB8];
	_ =	sdelay $0x3  }
0x33: {  	p0 =	seq.s32 s10, $0x1;
	s10 =	sld [smem:$0x3FBA];
	_ =	sdelay $0x3  }
0x34: {  	[smem:$0x3FBA] =	sst s10  }
0x35: {  	s10 =	sld [smem:$0x3FB9];
	_ =	sdelay $0x3  }
0x36: {  	p1 =	seq.s32 s10, $0x1;
	s10 =	sld [smem:$0x3FBA];
	_ =	sdelay $0x3  }
0x37: {  	[smem:$0x3FBA] =	sst s10  }
0x38: {  	s10 =	sld [smem:$0x3FBB]  }
0x39: {  	_ = 	snop;
	(pc) =	sbr.ind lr, $3  }
0x3a: {  	_ = 	snop  }
0x3b: {  	_ = 	snop  }
0x3c: {  	p2 =	seq.s32 s10, $0x1;
	s10 =	sld [smem:$0x3FBA]  }
0x3d: {  	_ =	shalt  }
0x3e: {  	_ =	shalt  }
0x3f: {  	_ =	shalt  }
0x40: {  	_ =	shalt  }
0x41: {  	_ =	shalt  }
0x42: {  	_ =	shalt  }
0x43: {  	_ =	shalt  }
0x44: {  	_ =	shalt  }
0x45: {  	_ =	shalt  }
0x46: {  	_ =	shalt  }
0x47: {  	_ =	shalt  }
0x48: {  	_ =	shalt  }
0x49: {  	_ =	shalt  }
0x4a: {  	_ =	shalt  }
0x4b: {  	_ =	shalt  }
0x4c: {  	_ =	shalt  }
0x4d: {  	_ =	shalt  }
0x4e: {  	_ =	shalt  }
0x4f: {  	_ =	shalt  }
0x50: {  	_ =	shalt  }
0x51: {  	_ =	shalt  }
0x52: {  	_ =	shalt  }
0x53: {  	_ =	shalt  }
0x54: {  	_ =	shalt  }
0x55: {  	_ =	shalt  }
0x56: {  	_ =	shalt  }
0x57: {  	_ =	shalt  }
0x58: {  	_ =	shalt  }
0x59: {  	_ =	shalt  }
0x5a: {  	_ =	shalt  }
0x5b: {  	_ =	shalt  }
0x5c: {  	_ =	shalt  }
0x5d: {  	_ =	shalt  }
0x5e: {  	_ =	shalt  }
0x5f: {  	_ =	shalt  }
0x60: {  	_ =	shalt  }
0x61: {  	_ =	shalt  }
0x62: {  	_ =	shalt  }
0x63: {  	_ =	shalt  }
0x64: {  	_ =	shalt  }
0x65: {  	_ =	shalt  }
0x66: {  	_ =	shalt  }
0x67: {  	_ =	shalt  }
0x68: {  	_ =	shalt  }
0x69: {  	_ =	shalt  }
0x6a: {  	_ =	shalt  }
0x6b: {  	_ =	shalt  }
0x6c: {  	_ =	shalt  }
0x6d: {  	_ =	shalt  }
0x6e: {  	_ =	shalt  }
0x6f: {  	_ =	shalt  }
0x70: {  	_ =	shalt  }
0x71: {  	_ =	shalt  }
0x72: {  	_ =	shalt  }
0x73: {  	_ =	shalt  }
0x74: {  	_ =	shalt  }
0x75: {  	_ =	shalt  }
0x76: {  	_ =	shalt  }
0x77: {  	_ =	shalt  }
0x78: {  	_ =	shalt  }
0x79: {  	_ =	shalt  }
0x7a: {  	_ =	shalt  }
0x7b: {  	_ =	shalt  }
0x7c: {  	_ =	shalt  }
0x7d: {  	_ =	shalt  }
0x7e: {  	_ =	shalt  }
0x7f: {  	_ =	shalt  }
0x80: {  	_ =	shalt  }
0x81: {  	_ =	shalt  }
0x82: {  	_ =	shalt  }
0x83: {  	_ =	shalt  }
0x84: {  	_ =	shalt  }
0x85: {  	_ =	shalt  }
0x86: {  	_ =	shalt  }
0x87: {  	_ =	shalt  }
.Lfunc_end0:
.L_simem_size_0:
called_computation.1_lowered:
.L_overlay_start_0:
0x88: {  	s2 =	sld [smem:$0x3FD9]  }
0x89: {  	s3 =	sld [smem:$0x3FFE];
	_ =	sdelay $0x1  }
0x8a: {  	s1 =	srdreg.scid  }
0x8b: {  	s0 =	sand.u32 $0x1, s1  }
0x8c: {  	s17 =	sshll.u32 s0, $0xA;
	s2 =	sadd.s32 s3, s2  }
0x8d: {  	s2 =	sadd.s32 s2, s17  }
0x8e: {  	[smem:$0x3FC6] =	sst s2  }
0x8f: {  	_ = 	snop  }
0x90: {  	s2 =	sld [smem:$0x3FD0];
	(tm) =	ssettm $0x1  }
0x91: {  	s18 =	sld [smem:$0x3FFB];
	_ =	sdelay $0x3  }
0x92: {  	_ =	strace s18  }
0x93: {  	s3 =	sld [smem:$0x3FFC];
	_ =	sdelay $0x3  }
0x94: {  	_ =	strace s3  }
0x95: {  	s3 =	sld [smem:$0x3FFD];
	_ =	sdelay $0x3  }
0x96: {  	_ =	strace s3  }
0x97: {  	_ =	strace $0x8FFFFFFF  }
0x98: {  	s19 =	sld [smem:$0x3FDB];
	_ =	sdelay $0x1  }
0x99: {  	s4 =	simm.s32 $_scs_section_size  }
0x9a: {  	s5 =	simm.s32 $_size__tile_overlayer_lowered;
	s6 =	simm.s32 $_tile_overlayer_lowered  }
0x9b: {  	s22 =	simm.s32 $0x1BFF;
	s21 =	sshll.u32 s6, $0x1;
	s3 =	sadd.s32 s4, s19  }
0x9c: {  	s7 =	simm.s32 $0x0;
	s20 =	sshll.u32 s5, $0x1;
	s5 =	sadd.s32 s21, s3  }
0x9d: {  	[timem:s7], [sflag:s22] =	dma.local [hbm:s5], s20  }
0x9e: {  	_ =	swait.ge [sflag:s22], s20  }
0x9f: {  	s4 =	ssub.s32 $0x0, s20;
	[sflag:s22] =	ssyncset.done $0x0  }
0xa0: {  	[sflag:s22] =	ssyncadd.s32 s4;
	_ =	sdelay $0x1  }
0xa1: {  	s23 =	simm.s32 $0x1B8B  }
0xa2: {  	_ =	swait.ge [sflag:s23], $0x1  }
0xa3: {  	[sflag:s23] =	ssyncset.done $0x0  }
0xa4: {  	s25 =	simm.s32 $0x1B8E;
	s24 =	sld [smem:$0x3FFE];
	[sflag:s23] =	ssyncadd.s32 $0xFFFFFFFF  }
0xa5: {  	s26 =	simm.s32 $execute0_lowered;
	[smem:$0x3FD2] =	sst s25  }
0xa6: {  	s5 =	sshll.u32 s26, $0x1;
	_ =	strace $0x80000046;
	[dreg:$0x1] =	wrdreg $0xFFFFFFFF  }
0xa7: {  	s28 =	simm.s32 $_size_execute0_lowered;
	s3 =	sadd.s32 s3, s5;
	[dreg:$0x0] =	wrdreg $0x0  }
0xa8: {  	s5 =	sshll.u32 s28, $0x1;
	[dreg:$0x2] =	wrdreg s3  }
0xa9: {  	[dreg:$0x3] =	wrdreg s5  }
0xaa: {  	[dreg:$0x4] =	wrdreg $0xC0  }
0xab: {  	_ =	task [dreg:s7], $0x5FFFF  }
0xac: {  	[dreg:$0x1] =	wrdreg $0xFFFFFFFF  }
0xad: {  	[dreg:$0x0] =	wrdreg $0x60  }
0xae: {  	[dreg:$0x2] =	wrdreg s2  }
0xaf: {  	[dreg:$0x3] =	wrdreg s24  }
0xb0: {  	[dreg:$0x4] =	wrdreg $0x9  }
0xb1: {  	_ =	task.clear_ibuf [dreg:s7], $0x5FFFF;
	_ =	strace $0x90000046  }
0xb2: {  	s29 =	simm.s32 $0x9;
	_ =	strace $0x80000048  }
0xb3: {  	_ =	swait.ge [sflag:s29], $0x1  }
0xb4: {  	[sflag:s29] =	ssyncadd.s32 $0xFFFFFFFF  }
0xb5: {  	_ =	strace $0x90000048  }
0xb6: {  	_ =	sfence  }
0xb7: {  	s30 =	sld [smem:$0x0];
	_ =	sdelay $0x2  }
0xb8: {  	s31 =	sshll.u32 s1, $0xD;
	s1 =	sshrl.u32 s1, $0x2  }
0xb9: {  	s3 =	sand.u32 $0x4000, s31;
	s1 =	sadd.s32 s1, s30  }
0xba: {  	s0 =	sor.u32 s3, s0;
	s1 =	sshll.u32 s1, $0x11  }
0xbb: {  	s0 =	sor.u32 s1, s0  }
0xbc: {  	s0 =	sadd.s32 $0x8F2B, s0  }
0xbd: {  	[sflag:s0] =	ssyncadd.remote.s32 $0x1  }
0xbe: {  	_ =	sfence.sel $0xFFFF  }
0xbf: {  	[dreg:$0x0] =	wrdreg $0xFFFFFFFF;
	(pc) =	sbr.abs _section_cstart, $3  }
0xc0: {  	[dreg:$0x1] =	wrdreg $0xFFFFFFFF  }
0xc1: {  	_ =	task.clear_ibuf [dreg:s7], $0x2FFFF;
	_ =	strace $0x9FFFFFFF  }
0xc2: {  	(tm) =	ssettm $0x7FFFFFFF  }
0xc3: {  	_ =	shalt  }
tec
execute0_lowered:
.L_overlay_start_1:
0x0: {  	(tag) =	ssettag $0x1  }
0x1: {  	s2 =	rddreg [dreg:$0x0];
	s0 =	srdreg.scid  }
0x2: {  	s3 =	stileid.u32;
	s1 =	rddreg [dreg:$0x1];
	s19 =	simm.s32 $0x1  }
0x3: {  	s20 =	simm.s32 $0x80;
	s28 =	simm.s32 $0xC200;
	s29 =	simm.s32 $0x5  }
0x4: {  	s30 =	simm.s32 $0x6;
	s0 =	sand.u32 $0x1, s0;
	s4 =	sshll.u32 s3, $0x1  }
0x5: {  	s31 =	simm.s32 $0x0;
	s3 =	simm.s32 $0x0;
	s8 =	sor.u32 s0, s4  }
0x6: {  	s5 =	sadd.s32 $0xA00, s1;
	s0 =	ssub.s32 $0x2, s0;
	s10 =	smul.u32 $0x6400, s8  }
0x7: {  	[smem:$0x7FF] =	sst s3;
	s6 =	sshrl.u32 s0, $0x1;
	s11 =	smul.u32 $0x64000, s8  }
0x8: {  	s4 =	sadd.s32 $0xF42E00, s1;
	_ =	strace $0x80000047;
	s0 =	ssub.s32 s0, s6  }
0x9: {  	s6 =	sor.u32 $0x80, s10;
	s21 =	sshrl.u32 s10, $0x3;
	s23 =	sadd.s32 s5, s11  }
0xa: {  	s14 =	sor.u32 $0x100, s10;
	s15 =	sor.u32 $0x180, s10;
	s18 =	smax.u32 s0, $0x1  }
0xb: {  	s9 =	sshrl.u32 s6, $0x3;
	s7 =	sadd.s32 s2, s21;
	[dreg:$0x4] =	wrdreg s23  }
0xc: {  	s25 =	sshll.u32 s6, $0x4;
	s21 =	simm.s32 $0x200;
	s23 =	simm.s32 $0x4200  }
0xd: {  	s22 =	sadd.s32 s2, s9;
	s9 =	smul.u32 $0x320000, s8;
	s24 =	sadd.s32 $0x20, s7  }
0xe: {  	s12 =	sadd.s32 s5, s25;
	s13 =	sadd.s32 $0x30, s7;
	[dreg:$0x3] =	wrdreg s22  }
0xf: {  	s25 =	simm.s32 $0x8200;
	[dreg:$0x5] =	wrdreg s24;
	s26 =	sshrl.u32 s9, $0x3  }
0x10: {  	v0 =	vimm.f32 $1.000000000e+00;
	s22 =	simm.s32 $0x2;
	s24 =	simm.s32 $0x3;
	s1 =	sadd.s32 s5, s26  }
0x11: {  	v0 =	vand.u32 $0x7FFFFFFF, v0;
	s26 =	simm.s32 $0x4;
	s16 =	sadd.s32 $0x63000, s1;
	s17 =	sadd.s32 $0x63800, s1  }
.LBB2_1:
0x12: {  	[tilespmem:s3], [sflag:$0x1] =	stream.linear.gather [hbm4b:s7+s3], $0x80, $0x38;
	[tilespmem:$0x10200] =	vst v63  }
0x13: {  	_ =	swait.ge [sflag:s19], $0x80  }
0x14: {  	[sflag:s19] =	ssyncset.done $0x0  }
0x15: {  	[sflag:s19] =	ssyncadd.s32 $0xFFFFFF80  }
0x16: {  	[tilespmem:s21], [sflag:$0x3] =	stream.indirect.gather [hbm4b:s4+s20], $0x80, s3, s20, $0xb8;
	[tilespmem:$0x10200] =	vst v63  }
0x17: {  	s0 =	rddreg [dreg:$0x3]  }
0x18: {  	[tilespmem:s20], [sflag:$0x2] =	stream.linear.gather [hbm4b:s0+s3], $0x80, $0x38;
	[tilespmem:$0x10200] =	vst v63  }
0x19: {  	_ =	swait.ge [sflag:s22], $0x80  }
0x1a: {  	[sflag:s22] =	ssyncset.done $0x0  }
0x1b: {  	[sflag:s22] =	ssyncadd.s32 $0xFFFFFF80  }
0x1c: {  	[tilespmem:s23], [sflag:$0x4] =	stream.indirect.gather [hbm4b:s4+s20], $0x80, s20, s20, $0xb8;
	[tilespmem:$0x10200] =	vst v63  }
0x1d: {  	_ =	swait.ge [sflag:s24], $0x4000  }
0x1e: {  	[sflag:s24] =	ssyncset.done $0x0  }
0x1f: {  	s1 =	simm.s32 $0x0;
	[sflag:s24] =	ssyncadd.s32 $0xFFFFC000  }
0x20: {  	v5 =	vld [tilespmem:s1+$0x230];
	_ =	sdelay $0x3  }
0x21: {  	v1 =	vld [tilespmem:s1+$0x200]  }
0x22: {  	v3 =	vld [tilespmem:s1+$0x210];
	v2 =	vand.u32 $0x80000000, v5  }
0x23: {  	v6 =	vor.u32 v2, v0;
	v2 =	vld [tilespmem:s1+$0x220];
	_ =	sdelay $0x1  }
0x24: {  	vm0 =	vlt.f32 v5, $0.0e+00;
	vm1 =	vgt.f32 v5, $0.0e+00  }
0x25: {  	v4 =	vand.u32 $0x80000000, v1;
	vm2 =	vmor vm1, vm0  }
0x26: {  	s8 =	simm.s32 $0x400;
	s0 =	simm.s32 $0x80;
	vm0 =	vlt.f32 v1, $0.0e+00;
	vm1 =	vgt.f32 v1, $0.0e+00;
	v5 =	vsel vm2, v6, v5  }
.LBB2_2:
0x27: {  	p0 =	sne.s32 s8, $0xFE00;
	v6 =	vld [tilespmem:s0+$0x230];
	v7 =	vand.u32 $0x80000000, v3;
	vm2 =	vlt.f32 v3, $0.0e+00;
	vm3 =	vgt.f32 v3, $0.0e+00;
	[tilespmem:s1+$0x8230] =	vst v5;
	v5 =	vmovc v2  }
0x28: {  	v8 =	vld [tilespmem:s0+$0x200];
	v9 =	vand.u32 $0x80000000, v5;
	vm4 =	vlt.f32 v5, $0.0e+00;
	vm5 =	vgt.f32 v5, $0.0e+00  }
0x29: {  	v4 =	vor.u32 v4, v0;
	vm0 =	vmor vm1, vm0;
	v7 =	vor.u32 v7, v0;
	v10 =	vld [tilespmem:s0+$0x210]  }
.Ltmp0:
0x2a: {  	vm1 =	vmor vm3, vm2;
	v9 =	vor.u32 v9, v0;
	vm2 =	vmor vm5, vm4;
	v2 =	vld [tilespmem:s0+$0x220];
	(pc) =	sbr.rel @p0 .LBB2_2-.Ltmp0, $4  }
0x2b: {  	v11 =	vsel vm0, v4, v1;
	v3 =	vsel vm1, v7, v3;
	v7 =	vsel vm2, v9, v5  }
0x2c: {  	v5 =	vand.u32 $0x80000000, v6;
	vm0 =	vlt.f32 v6, $0.0e+00;
	vm1 =	vgt.f32 v6, $0.0e+00;
	[tilespmem:s1+$0x8200] =	vst v11  }
0x2d: {  	v4 =	vand.u32 $0x80000000, v8;
	v5 =	vor.u32 v5, v0;
	vm2 =	vmor vm1, vm0;
	[tilespmem:s1+$0x8210] =	vst v3;
	v1 =	vmovc v8  }
0x2e: {  	vm0 =	vlt.f32 v1, $0.0e+00;
	vm1 =	vgt.f32 v1, $0.0e+00;
	v5 =	vsel vm2, v5, v6;
	[tilespmem:s1+$0x8220] =	vst v7;
	v3 =	vmovc v10;
	s1 =	smov.u32 s0;
	s0 =	sshra.s32 s8, $0x2;
	s8 =	sadd.s32 $0x200, s8  }
0x2f: {  	v6 =	vld [tilespmem:s0+$0x230];
	v7 =	vand.u32 $0x80000000, v3;
	vm2 =	vlt.f32 v3, $0.0e+00;
	[tilespmem:s1+$0x8230] =	vst v5  }
0x30: {  	vm3 =	vgt.f32 v3, $0.0e+00;
	v8 =	vand.u32 $0x80000000, v2;
	vm4 =	vlt.f32 v2, $0.0e+00;
	v5 =	vld [tilespmem:s0+$0x200]  }
0x31: {  	vm5 =	vgt.f32 v2, $0.0e+00;
	v4 =	vor.u32 v4, v0;
	vm0 =	vmor vm1, vm0;
	v9 =	vld [tilespmem:s0+$0x210]  }
0x32: {  	v7 =	vor.u32 v7, v0;
	vm1 =	vmor vm3, vm2;
	v8 =	vor.u32 v8, v0;
	v10 =	vld [tilespmem:s0+$0x220]  }
0x33: {  	vm2 =	vmor vm5, vm4;
	v1 =	vsel vm0, v4, v1;
	v3 =	vsel vm1, v7, v3  }
0x34: {  	v2 =	vsel vm2, v8, v2;
	v4 =	vand.u32 $0x80000000, v6;
	vm0 =	vlt.f32 v6, $0.0e+00  }
0x35: {  	vm1 =	vgt.f32 v6, $0.0e+00;
	v7 =	vand.u32 $0x80000000, v5;
	v4 =	vor.u32 v4, v0  }
0x36: {  	vm0 =	vmor vm1, vm0;
	vm1 =	vlt.f32 v5, $0.0e+00;
	vm2 =	vgt.f32 v5, $0.0e+00  }
0x37: {  	[tilespmem:s1+$0x8210] =	vst v3;
	vm3 =	vgt.f32 v9, $0.0e+00;
	v3 =	vand.u32 $0x80000000, v10;
	vm14 =	vlt.f32 v10, $0.0e+00  }
0x38: {  	[tilespmem:s1+$0x8200] =	vst v1;
	vm15 =	vgt.f32 v10, $0.0e+00;
	v1 =	vsel vm0, v4, v6;
	v4 =	vand.u32 $0x80000000, v9  }
0x39: {  	[tilespmem:s1+$0x8220] =	vst v2;
	vm0 =	vlt.f32 v9, $0.0e+00;
	v2 =	vor.u32 v7, v0;
	vm1 =	vmor vm2, vm1  }
0x3a: {  	[tilespmem:s0+$0x8230] =	vst v1;
	v1 =	vor.u32 v4, v0;
	vm0 =	vmor vm3, vm0;
	v2 =	vsel vm1, v2, v5  }
0x3b: {  	v3 =	vor.u32 v3, v0;
	vm1 =	vmor vm15, vm14;
	v1 =	vsel vm0, v1, v9;
	[tilespmem:s0+$0x8200] =	vst v2  }
0x3c: {  	v2 =	vsel vm1, v3, v10;
	[tilespmem:s0+$0x8210] =	vst v1  }
0x3d: {  	s8 =	simm.s32 $0x0;
	s10 =	rddreg [dreg:$0x4];
	[tilespmem:s0+$0x8220] =	vst v2  }
0x3e: {  	[hbm4b:s10+s8] =	stream.linear.scatter [tilespmem:s25], [sflag:$0x5], $0x4000, $0x38;
	[tilespmem:$0x10200] =	vst v63  }
0x3f: {  	s11 =	rddreg [dreg:$0x5]  }
0x40: {  	[tilespmem:s8], [sflag:$0x1] =	stream.linear.gather [hbm4b:s11+s8], $0x80, $0x38;
	[tilespmem:$0x10200] =	vst v63  }
0x41: {  	_ =	swait.ge [sflag:s19], $0x80  }
0x42: {  	[sflag:s19] =	ssyncset.done $0x0  }
0x43: {  	[sflag:s19] =	ssyncadd.s32 $0xFFFFFF80  }
0x44: {  	[tilespmem:s21], [sflag:$0x3] =	stream.indirect.gather [hbm4b:s4+s20], $0x80, s8, s20, $0xb8;
	[tilespmem:$0x10200] =	vst v63  }
0x45: {  	_ =	swait.ge [sflag:s26], $0x4000  }
0x46: {  	[sflag:s26] =	ssyncset.done $0x0  }
0x47: {  	s1 =	simm.s32 $0x0;
	[sflag:s26] =	ssyncadd.s32 $0xFFFFC000  }
0x48: {  	v5 =	vld [tilespmem:s1+$0x4230];
	_ =	sdelay $0x3  }
0x49: {  	v1 =	vld [tilespmem:s1+$0x4200]  }
0x4a: {  	v3 =	vld [tilespmem:s1+$0x4210];
	v2 =	vand.u32 $0x80000000, v5  }
0x4b: {  	v6 =	vor.u32 v2, v0;
	v2 =	vld [tilespmem:s1+$0x4220];
	_ =	sdelay $0x1  }
0x4c: {  	vm0 =	vlt.f32 v5, $0.0e+00;
	vm1 =	vgt.f32 v5, $0.0e+00  }
0x4d: {  	v4 =	vand.u32 $0x80000000, v1;
	vm2 =	vmor vm1, vm0  }
0x4e: {  	s0 =	simm.s32 $0x80;
	s8 =	simm.s32 $0x400;
	vm0 =	vlt.f32 v1, $0.0e+00;
	vm1 =	vgt.f32 v1, $0.0e+00;
	v5 =	vsel vm2, v6, v5  }
.LBB2_4:
0x4f: {  	p0 =	sne.s32 s8, $0xFE00;
	v6 =	vld [tilespmem:s0+$0x4230];
	v7 =	vand.u32 $0x80000000, v3;
	vm2 =	vlt.f32 v3, $0.0e+00;
	vm3 =	vgt.f32 v3, $0.0e+00;
	[tilespmem:s1+$0xC230] =	vst v5;
	v5 =	vmovc v2  }
0x50: {  	v8 =	vld [tilespmem:s0+$0x4200];
	v9 =	vand.u32 $0x80000000, v5;
	vm4 =	vlt.f32 v5, $0.0e+00;
	vm5 =	vgt.f32 v5, $0.0e+00  }
0x51: {  	v4 =	vor.u32 v4, v0;
	vm0 =	vmor vm1, vm0;
	v7 =	vor.u32 v7, v0;
	v10 =	vld [tilespmem:s0+$0x4210]  }
.Ltmp1:
0x52: {  	vm1 =	vmor vm3, vm2;
	v9 =	vor.u32 v9, v0;
	vm2 =	vmor vm5, vm4;
	v2 =	vld [tilespmem:s0+$0x4220];
	(pc) =	sbr.rel @p0 .LBB2_4-.Ltmp1, $4  }
0x53: {  	v11 =	vsel vm0, v4, v1;
	v3 =	vsel vm1, v7, v3;
	v7 =	vsel vm2, v9, v5  }
0x54: {  	v5 =	vand.u32 $0x80000000, v6;
	vm0 =	vlt.f32 v6, $0.0e+00;
	vm1 =	vgt.f32 v6, $0.0e+00;
	[tilespmem:s1+$0xC200] =	vst v11  }
0x55: {  	v4 =	vand.u32 $0x80000000, v8;
	v5 =	vor.u32 v5, v0;
	vm2 =	vmor vm1, vm0;
	[tilespmem:s1+$0xC210] =	vst v3;
	v1 =	vmovc v8  }
0x56: {  	vm0 =	vlt.f32 v1, $0.0e+00;
	vm1 =	vgt.f32 v1, $0.0e+00;
	v5 =	vsel vm2, v5, v6;
	[tilespmem:s1+$0xC220] =	vst v7;
	v3 =	vmovc v10;
	s1 =	smov.u32 s0;
	s0 =	sshra.s32 s8, $0x2;
	s8 =	sadd.s32 $0x200, s8  }
0x57: {  	v6 =	vld [tilespmem:s0+$0x4230];
	v7 =	vand.u32 $0x80000000, v3;
	vm2 =	vlt.f32 v3, $0.0e+00;
	[tilespmem:s1+$0xC230] =	vst v5  }
0x58: {  	vm3 =	vgt.f32 v3, $0.0e+00;
	v8 =	vand.u32 $0x80000000, v2;
	vm4 =	vlt.f32 v2, $0.0e+00;
	v5 =	vld [tilespmem:s0+$0x4200]  }
0x59: {  	vm5 =	vgt.f32 v2, $0.0e+00;
	v4 =	vor.u32 v4, v0;
	vm0 =	vmor vm1, vm0  }
0x5a: {  	v9 =	vld [tilespmem:s0+$0x4210];
	v7 =	vor.u32 v7, v0;
	vm15 =	vmor vm3, vm2;
	v8 =	vor.u32 v8, v0  }
0x5b: {  	v10 =	vld [tilespmem:s0+$0x4220];
	vm6 =	vmor vm5, vm4;
	v1 =	vsel vm0, v4, v1;
	v3 =	vsel vm15, v7, v3  }
0x5c: {  	v2 =	vsel vm6, v8, v2;
	v61 =	vand.u32 $0x80000000, v6;
	vm7 =	vlt.f32 v6, $0.0e+00  }
0x5d: {  	vm8 =	vgt.f32 v6, $0.0e+00;
	v62 =	vand.u32 $0x80000000, v5;
	v4 =	vor.u32 v61, v0  }
0x5e: {  	vm0 =	vmor vm8, vm7;
	vm9 =	vlt.f32 v5, $0.0e+00;
	vm10 =	vgt.f32 v5, $0.0e+00  }
0x5f: {  	[tilespmem:s1+$0xC200] =	vst v1;
	v63 =	vand.u32 $0x80000000, v9;
	vm11 =	vlt.f32 v9, $0.0e+00;
	vm12 =	vgt.f32 v9, $0.0e+00  }
0x60: {  	[tilespmem:s1+$0xC210] =	vst v3;
	v3 =	vand.u32 $0x80000000, v10;
	vm13 =	vlt.f32 v10, $0.0e+00;
	vm14 =	vgt.f32 v10, $0.0e+00  }
0x61: {  	[tilespmem:s1+$0xC220] =	vst v2;
	v1 =	vsel vm0, v4, v6;
	v2 =	vor.u32 v62, v0;
	vm1 =	vmor vm10, vm9  }
0x62: {  	vm0 =	vmor vm12, vm11;
	[tilespmem:s0+$0xC230] =	vst v1;
	v1 =	vor.u32 v63, v0;
	v2 =	vsel vm1, v2, v5  }
0x63: {  	v3 =	vor.u32 v3, v0;
	vm15 =	vmor vm14, vm13;
	v1 =	vsel vm0, v1, v9;
	[tilespmem:s0+$0xC200] =	vst v2  }
0x64: {  	v2 =	vsel vm15, v3, v10;
	[tilespmem:s0+$0xC210] =	vst v1  }
0x65: {  	[tilespmem:s0+$0xC220] =	vst v2  }
0x66: {  	[hbm4b:s12+s3] =	stream.linear.scatter [tilespmem:s28], [sflag:$0x6], $0x4000, $0x38;
	[tilespmem:$0x10200] =	vst v63  }
0x67: {  	s1 =	simm.s32 $0x1  }
0x68: {  	[tilespmem:s20], [sflag:$0x2] =	stream.linear.gather [hbm4b:s13+s3], $0x80, $0x38;
	[tilespmem:$0x10200] =	vst v63  }
.LBB2_6:
0x69: {  	_ =	swait.ge [sflag:s22], $0x80  }
0x6a: {  	[sflag:s22] =	ssyncset.done $0x0  }
0x6b: {  	[sflag:s22] =	ssyncadd.s32 $0xFFFFFF80  }
0x6c: {  	[tilespmem:s23], [sflag:$0x4] =	stream.indirect.gather [hbm4b:s4+s20], $0x80, s20, s20, $0xb8;
	[tilespmem:$0x10200] =	vst v63  }
0x6d: {  	_ =	swait.ge [sflag:s24], $0x4000  }
0x6e: {  	[sflag:s24] =	ssyncset.done $0x0  }
0x6f: {  	[sflag:s24] =	ssyncadd.s32 $0xFFFFC000  }
0x70: {  	_ =	swait.ge [sflag:s29], $0x4000  }
0x71: {  	[sflag:s29] =	ssyncset.done $0x0  }
0x72: {  	s8 =	simm.s32 $0x0;
	[sflag:s29] =	ssyncadd.s32 $0xFFFFC000  }
0x73: {  	v5 =	vld [tilespmem:s8+$0x230];
	_ =	sdelay $0x3  }
0x74: {  	v1 =	vld [tilespmem:s8+$0x200]  }
0x75: {  	v3 =	vld [tilespmem:s8+$0x210];
	v2 =	vand.u32 $0x80000000, v5  }
0x76: {  	v6 =	vor.u32 v2, v0;
	v2 =	vld [tilespmem:s8+$0x220];
	_ =	sdelay $0x1  }
0x77: {  	vm0 =	vlt.f32 v5, $0.0e+00;
	vm1 =	vgt.f32 v5, $0.0e+00  }
0x78: {  	v4 =	vand.u32 $0x80000000, v1;
	vm2 =	vmor vm1, vm0  }
0x79: {  	s0 =	simm.s32 $0x80;
	s10 =	simm.s32 $0x400;
	vm0 =	vlt.f32 v1, $0.0e+00;
	vm1 =	vgt.f32 v1, $0.0e+00;
	v5 =	vsel vm2, v6, v5  }
.LBB2_7:
0x7a: {  	p0 =	sne.s32 s10, $0xFE00;
	v6 =	vld [tilespmem:s0+$0x230];
	v7 =	vand.u32 $0x80000000, v3;
	vm2 =	vlt.f32 v3, $0.0e+00;
	vm3 =	vgt.f32 v3, $0.0e+00;
	[tilespmem:s8+$0x8230] =	vst v5;
	v5 =	vmovc v2  }
0x7b: {  	v8 =	vld [tilespmem:s0+$0x200];
	v9 =	vand.u32 $0x80000000, v5;
	vm4 =	vlt.f32 v5, $0.0e+00;
	vm5 =	vgt.f32 v5, $0.0e+00  }
0x7c: {  	v4 =	vor.u32 v4, v0;
	vm0 =	vmor vm1, vm0;
	v7 =	vor.u32 v7, v0;
	v10 =	vld [tilespmem:s0+$0x210]  }
.Ltmp2:
0x7d: {  	vm1 =	vmor vm3, vm2;
	v9 =	vor.u32 v9, v0;
	vm2 =	vmor vm5, vm4;
	v2 =	vld [tilespmem:s0+$0x220];
	(pc) =	sbr.rel @p0 .LBB2_7-.Ltmp2, $4  }
0x7e: {  	v11 =	vsel vm0, v4, v1;
	v3 =	vsel vm1, v7, v3;
	v7 =	vsel vm2, v9, v5  }
0x7f: {  	v5 =	vand.u32 $0x80000000, v6;
	vm0 =	vlt.f32 v6, $0.0e+00;
	vm1 =	vgt.f32 v6, $0.0e+00;
	[tilespmem:s8+$0x8200] =	vst v11  }
0x80: {  	v4 =	vand.u32 $0x80000000, v8;
	v5 =	vor.u32 v5, v0;
	vm2 =	vmor vm1, vm0;
	[tilespmem:s8+$0x8210] =	vst v3;
	v1 =	vmovc v8  }
0x81: {  	vm0 =	vlt.f32 v1, $0.0e+00;
	vm1 =	vgt.f32 v1, $0.0e+00;
	v5 =	vsel vm2, v5, v6;
	[tilespmem:s8+$0x8220] =	vst v7;
	v3 =	vmovc v10;
	s8 =	smov.u32 s0;
	s0 =	sshra.s32 s10, $0x2;
	s10 =	sadd.s32 $0x200, s10  }
0x82: {  	v6 =	vld [tilespmem:s0+$0x230];
	v7 =	vand.u32 $0x80000000, v3;
	vm2 =	vlt.f32 v3, $0.0e+00;
	[tilespmem:s8+$0x8230] =	vst v5  }
0x83: {  	vm3 =	vgt.f32 v3, $0.0e+00;
	v8 =	vand.u32 $0x80000000, v2;
	vm4 =	vlt.f32 v2, $0.0e+00;
	v5 =	vld [tilespmem:s0+$0x200]  }
0x84: {  	vm5 =	vgt.f32 v2, $0.0e+00;
	v4 =	vor.u32 v4, v0;
	vm0 =	vmor vm1, vm0;
	v9 =	vld [tilespmem:s0+$0x210]  }
0x85: {  	v7 =	vor.u32 v7, v0;
	vm1 =	vmor vm3, vm2;
	v8 =	vor.u32 v8, v0;
	v10 =	vld [tilespmem:s0+$0x220]  }
0x86: {  	vm2 =	vmor vm5, vm4;
	v1 =	vsel vm0, v4, v1;
	v3 =	vsel vm1, v7, v3  }
0x87: {  	v2 =	vsel vm2, v8, v2;
	v4 =	vand.u32 $0x80000000, v6;
	vm0 =	vlt.f32 v6, $0.0e+00  }
0x88: {  	vm1 =	vgt.f32 v6, $0.0e+00;
	v7 =	vand.u32 $0x80000000, v5;
	v4 =	vor.u32 v4, v0  }
0x89: {  	vm0 =	vmor vm1, vm0;
	vm1 =	vlt.f32 v5, $0.0e+00;
	vm2 =	vgt.f32 v5, $0.0e+00  }
0x8a: {  	[tilespmem:s8+$0x8210] =	vst v3;
	vm3 =	vgt.f32 v9, $0.0e+00;
	v3 =	vand.u32 $0x80000000, v10;
	vm14 =	vlt.f32 v10, $0.0e+00  }
0x8b: {  	[tilespmem:s8+$0x8200] =	vst v1;
	vm15 =	vgt.f32 v10, $0.0e+00;
	v1 =	vsel vm0, v4, v6;
	v4 =	vand.u32 $0x80000000, v9  }
0x8c: {  	[tilespmem:s8+$0x8220] =	vst v2;
	vm0 =	vlt.f32 v9, $0.0e+00;
	v2 =	vor.u32 v7, v0;
	vm1 =	vmor vm2, vm1  }
0x8d: {  	s10 =	sshll.u32 s1, $0xF;
	[tilespmem:s0+$0x8230] =	vst v1;
	v1 =	vor.u32 v4, v0;
	vm0 =	vmor vm3, vm0;
	v2 =	vsel vm1, v2, v5  }
0x8e: {  	s8 =	sadd.s32 s9, s10;
	v3 =	vor.u32 v3, v0;
	vm1 =	vmor vm15, vm14;
	v1 =	vsel vm0, v1, v9;
	[tilespmem:s0+$0x8200] =	vst v2  }
0x8f: {  	s8 =	sshrl.u32 s8, $0x3;
	v2 =	vsel vm1, v3, v10;
	[tilespmem:s0+$0x8210] =	vst v1  }
0x90: {  	s10 =	simm.s32 $0x0;
	s8 =	sadd.s32 s5, s8;
	[tilespmem:s0+$0x8220] =	vst v2;
	s0 =	sshll.u32 s1, $0x8  }
0x91: {  	[hbm4b:s8+s10] =	stream.linear.scatter [tilespmem:s25], [sflag:$0x5], $0x4000, $0x38;
	[tilespmem:$0x10200] =	vst v63  }
0x92: {  	s11 =	sadd.s32 s0, s14  }
0x93: {  	s8 =	sshrl.u32 s11, $0x3  }
0x94: {  	s8 =	sadd.s32 s2, s8  }
0x95: {  	[tilespmem:s10], [sflag:$0x1] =	stream.linear.gather [hbm4b:s8+s10], $0x80, $0x38;
	[tilespmem:$0x10200] =	vst v63  }
0x96: {  	_ =	swait.ge [sflag:s19], $0x80  }
0x97: {  	[sflag:s19] =	ssyncset.done $0x0  }
0x98: {  	[sflag:s19] =	ssyncadd.s32 $0xFFFFFF80  }
0x99: {  	[tilespmem:s21], [sflag:$0x3] =	stream.indirect.gather [hbm4b:s4+s20], $0x80, s10, s20, $0xb8;
	[tilespmem:$0x10200] =	vst v63  }
0x9a: {  	_ =	swait.ge [sflag:s26], $0x4000  }
0x9b: {  	[sflag:s26] =	ssyncset.done $0x0  }
0x9c: {  	[sflag:s26] =	ssyncadd.s32 $0xFFFFC000  }
0x9d: {  	_ =	swait.ge [sflag:s30], $0x4000  }
0x9e: {  	[sflag:s30] =	ssyncset.done $0x0  }
0x9f: {  	s10 =	simm.s32 $0x0;
	[sflag:s30] =	ssyncadd.s32 $0xFFFFC000  }
0xa0: {  	v5 =	vld [tilespmem:s10+$0x4230];
	_ =	sdelay $0x3  }
0xa1: {  	v1 =	vld [tilespmem:s10+$0x4200]  }
0xa2: {  	v3 =	vld [tilespmem:s10+$0x4210];
	v2 =	vand.u32 $0x80000000, v5  }
0xa3: {  	v6 =	vor.u32 v2, v0;
	v2 =	vld [tilespmem:s10+$0x4220];
	_ =	sdelay $0x1  }
0xa4: {  	vm0 =	vlt.f32 v5, $0.0e+00;
	vm1 =	vgt.f32 v5, $0.0e+00  }
0xa5: {  	v4 =	vand.u32 $0x80000000, v1;
	vm2 =	vmor vm1, vm0  }
0xa6: {  	s11 =	simm.s32 $0x400;
	s8 =	simm.s32 $0x80;
	vm0 =	vlt.f32 v1, $0.0e+00;
	vm1 =	vgt.f32 v1, $0.0e+00;
	v5 =	vsel vm2, v6, v5  }
.LBB2_9:
0xa7: {  	p0 =	sne.s32 s11, $0xFE00;
	v6 =	vld [tilespmem:s8+$0x4230];
	v7 =	vand.u32 $0x80000000, v3;
	vm2 =	vlt.f32 v3, $0.0e+00;
	vm3 =	vgt.f32 v3, $0.0e+00;
	[tilespmem:s10+$0xC230] =	vst v5;
	v5 =	vmovc v2  }
0xa8: {  	v8 =	vld [tilespmem:s8+$0x4200];
	v9 =	vand.u32 $0x80000000, v5;
	vm4 =	vlt.f32 v5, $0.0e+00;
	vm5 =	vgt.f32 v5, $0.0e+00  }
0xa9: {  	v4 =	vor.u32 v4, v0;
	vm0 =	vmor vm1, vm0;
	v7 =	vor.u32 v7, v0;
	v10 =	vld [tilespmem:s8+$0x4210]  }
.Ltmp3:
0xaa: {  	vm1 =	vmor vm3, vm2;
	v9 =	vor.u32 v9, v0;
	vm2 =	vmor vm5, vm4;
	v2 =	vld [tilespmem:s8+$0x4220];
	(pc) =	sbr.rel @p0 .LBB2_9-.Ltmp3, $4  }
0xab: {  	v11 =	vsel vm0, v4, v1;
	v3 =	vsel vm1, v7, v3;
	v7 =	vsel vm2, v9, v5  }
0xac: {  	v5 =	vand.u32 $0x80000000, v6;
	vm0 =	vlt.f32 v6, $0.0e+00;
	vm1 =	vgt.f32 v6, $0.0e+00;
	[tilespmem:s10+$0xC200] =	vst v11  }
0xad: {  	v4 =	vand.u32 $0x80000000, v8;
	v5 =	vor.u32 v5, v0;
	vm2 =	vmor vm1, vm0;
	[tilespmem:s10+$0xC210] =	vst v3;
	v1 =	vmovc v8  }
0xae: {  	vm0 =	vlt.f32 v1, $0.0e+00;
	vm1 =	vgt.f32 v1, $0.0e+00;
	v5 =	vsel vm2, v5, v6;
	[tilespmem:s10+$0xC220] =	vst v7;
	v3 =	vmovc v10;
	s10 =	smov.u32 s8;
	s8 =	sshra.s32 s11, $0x2;
	s11 =	sadd.s32 $0x200, s11  }
0xaf: {  	v6 =	vld [tilespmem:s8+$0x4230];
	v7 =	vand.u32 $0x80000000, v3;
	vm2 =	vlt.f32 v3, $0.0e+00;
	[tilespmem:s10+$0xC230] =	vst v5  }
0xb0: {  	vm3 =	vgt.f32 v3, $0.0e+00;
	v8 =	vand.u32 $0x80000000, v2;
	vm4 =	vlt.f32 v2, $0.0e+00;
	v5 =	vld [tilespmem:s8+$0x4200]  }
0xb1: {  	vm5 =	vgt.f32 v2, $0.0e+00;
	v4 =	vor.u32 v4, v0;
	vm0 =	vmor vm1, vm0  }
0xb2: {  	v9 =	vld [tilespmem:s8+$0x4210];
	v7 =	vor.u32 v7, v0;
	vm15 =	vmor vm3, vm2;
	v8 =	vor.u32 v8, v0  }
0xb3: {  	v10 =	vld [tilespmem:s8+$0x4220];
	vm6 =	vmor vm5, vm4;
	v1 =	vsel vm0, v4, v1;
	v3 =	vsel vm15, v7, v3  }
0xb4: {  	v2 =	vsel vm6, v8, v2;
	v61 =	vand.u32 $0x80000000, v6;
	vm7 =	vlt.f32 v6, $0.0e+00  }
0xb5: {  	vm8 =	vgt.f32 v6, $0.0e+00;
	v62 =	vand.u32 $0x80000000, v5;
	v4 =	vor.u32 v61, v0  }
0xb6: {  	vm0 =	vmor vm8, vm7;
	vm9 =	vlt.f32 v5, $0.0e+00;
	vm10 =	vgt.f32 v5, $0.0e+00  }
0xb7: {  	[tilespmem:s10+$0xC200] =	vst v1;
	v63 =	vand.u32 $0x80000000, v9;
	vm11 =	vlt.f32 v9, $0.0e+00;
	vm12 =	vgt.f32 v9, $0.0e+00  }
0xb8: {  	[tilespmem:s10+$0xC210] =	vst v3;
	v3 =	vand.u32 $0x80000000, v10;
	vm13 =	vlt.f32 v10, $0.0e+00;
	vm14 =	vgt.f32 v10, $0.0e+00  }
0xb9: {  	[tilespmem:s10+$0xC220] =	vst v2;
	v1 =	vsel vm0, v4, v6;
	v2 =	vor.u32 v62, v0;
	vm1 =	vmor vm10, vm9  }
0xba: {  	s1 =	sadd.s32 $0x1, s1;
	vm0 =	vmor vm12, vm11;
	[tilespmem:s8+$0xC230] =	vst v1;
	v1 =	vor.u32 v63, v0;
	v2 =	vsel vm1, v2, v5  }
0xbb: {  	s11 =	sadd.s32 s0, s6;
	p0 =	sne.s32 s1, $0x63;
	v3 =	vor.u32 v3, v0;
	vm15 =	vmor vm14, vm13;
	v1 =	vsel vm0, v1, v9;
	[tilespmem:s8+$0xC200] =	vst v2  }
.Ltmp4:
0xbc: {  	s10 =	sshll.u32 s11, $0x4;
	s11 =	sadd.s32 s0, s15;
	v2 =	vsel vm15, v3, v10;
	[tilespmem:s8+$0xC210] =	vst v1;
	(pc) =	sbr.rel @p0 .LBB2_6-.Ltmp4, $4  }
0xbd: {  	s10 =	sadd.s32 s5, s10;
	s0 =	sshrl.u32 s11, $0x3;
	[tilespmem:s8+$0xC220] =	vst v2  }
0xbe: {  	[hbm4b:s10+s3] =	stream.linear.scatter [tilespmem:s28], [sflag:$0x6], $0x4000, $0x38;
	[tilespmem:$0x10200] =	vst v63  }
0xbf: {  	s0 =	sadd.s32 s2, s0  }
0xc0: {  	[tilespmem:s20], [sflag:$0x2] =	stream.linear.gather [hbm4b:s0+s3], $0x80, $0x38;
	[tilespmem:$0x10200] =	vst v63  }
0xc1: {  	_ =	swait.ge [sflag:s22], $0x80  }
0xc2: {  	[sflag:s22] =	ssyncset.done $0x0  }
0xc3: {  	[sflag:s22] =	ssyncadd.s32 $0xFFFFFF80  }
0xc4: {  	[tilespmem:s23], [sflag:$0x4] =	stream.indirect.gather [hbm4b:s4+s20], $0x80, s20, s20, $0xb8;
	[tilespmem:$0x10200] =	vst v63  }
0xc5: {  	_ =	swait.ge [sflag:s24], $0x4000  }
0xc6: {  	[sflag:s24] =	ssyncset.done $0x0  }
0xc7: {  	[sflag:s24] =	ssyncadd.s32 $0xFFFFC000  }
0xc8: {  	_ =	swait.ge [sflag:s29], $0x4000  }
0xc9: {  	[sflag:s29] =	ssyncset.done $0x0  }
0xca: {  	s1 =	simm.s32 $0x0;
	[sflag:s29] =	ssyncadd.s32 $0xFFFFC000  }
0xcb: {  	v5 =	vld [tilespmem:s1+$0x230];
	_ =	sdelay $0x3  }
0xcc: {  	v1 =	vld [tilespmem:s1+$0x200]  }
0xcd: {  	v3 =	vld [tilespmem:s1+$0x210];
	v2 =	vand.u32 $0x80000000, v5  }
0xce: {  	v6 =	vor.u32 v2, v0;
	v2 =	vld [tilespmem:s1+$0x220];
	_ =	sdelay $0x1  }
0xcf: {  	vm0 =	vlt.f32 v5, $0.0e+00;
	vm1 =	vgt.f32 v5, $0.0e+00  }
0xd0: {  	v4 =	vand.u32 $0x80000000, v1;
	vm2 =	vmor vm1, vm0  }
0xd1: {  	s0 =	simm.s32 $0x80;
	s8 =	simm.s32 $0x400;
	vm0 =	vlt.f32 v1, $0.0e+00;
	vm1 =	vgt.f32 v1, $0.0e+00;
	v5 =	vsel vm2, v6, v5  }
.LBB2_12:
0xd2: {  	p0 =	sne.s32 s8, $0xFE00;
	v6 =	vld [tilespmem:s0+$0x230];
	v7 =	vand.u32 $0x80000000, v3;
	vm2 =	vlt.f32 v3, $0.0e+00;
	vm3 =	vgt.f32 v3, $0.0e+00;
	[tilespmem:s1+$0x8230] =	vst v5;
	v5 =	vmovc v2  }
0xd3: {  	v8 =	vld [tilespmem:s0+$0x200];
	v9 =	vand.u32 $0x80000000, v5;
	vm4 =	vlt.f32 v5, $0.0e+00;
	vm5 =	vgt.f32 v5, $0.0e+00  }
0xd4: {  	v4 =	vor.u32 v4, v0;
	vm0 =	vmor vm1, vm0;
	v7 =	vor.u32 v7, v0;
	v10 =	vld [tilespmem:s0+$0x210]  }
.Ltmp5:
0xd5: {  	vm1 =	vmor vm3, vm2;
	v9 =	vor.u32 v9, v0;
	vm2 =	vmor vm5, vm4;
	v2 =	vld [tilespmem:s0+$0x220];
	(pc) =	sbr.rel @p0 .LBB2_12-.Ltmp5, $4  }
0xd6: {  	v11 =	vsel vm0, v4, v1;
	v3 =	vsel vm1, v7, v3;
	v7 =	vsel vm2, v9, v5  }
0xd7: {  	v5 =	vand.u32 $0x80000000, v6;
	vm0 =	vlt.f32 v6, $0.0e+00;
	vm1 =	vgt.f32 v6, $0.0e+00;
	[tilespmem:s1+$0x8200] =	vst v11  }
0xd8: {  	v4 =	vand.u32 $0x80000000, v8;
	v5 =	vor.u32 v5, v0;
	vm2 =	vmor vm1, vm0;
	[tilespmem:s1+$0x8210] =	vst v3;
	v1 =	vmovc v8  }
0xd9: {  	vm0 =	vlt.f32 v1, $0.0e+00;
	vm1 =	vgt.f32 v1, $0.0e+00;
	v5 =	vsel vm2, v5, v6;
	[tilespmem:s1+$0x8220] =	vst v7;
	v3 =	vmovc v10;
	s1 =	smov.u32 s0;
	s0 =	sshra.s32 s8, $0x2;
	s8 =	sadd.s32 $0x200, s8  }
0xda: {  	v6 =	vld [tilespmem:s0+$0x230];
	v7 =	vand.u32 $0x80000000, v3;
	vm2 =	vlt.f32 v3, $0.0e+00;
	[tilespmem:s1+$0x8230] =	vst v5  }
0xdb: {  	vm3 =	vgt.f32 v3, $0.0e+00;
	v8 =	vand.u32 $0x80000000, v2;
	vm4 =	vlt.f32 v2, $0.0e+00;
	v5 =	vld [tilespmem:s0+$0x200]  }
0xdc: {  	vm5 =	vgt.f32 v2, $0.0e+00;
	v4 =	vor.u32 v4, v0;
	vm0 =	vmor vm1, vm0;
	v9 =	vld [tilespmem:s0+$0x210]  }
0xdd: {  	v7 =	vor.u32 v7, v0;
	vm1 =	vmor vm3, vm2;
	v8 =	vor.u32 v8, v0;
	v10 =	vld [tilespmem:s0+$0x220]  }
0xde: {  	vm2 =	vmor vm5, vm4;
	v1 =	vsel vm0, v4, v1;
	v3 =	vsel vm1, v7, v3  }
0xdf: {  	v2 =	vsel vm2, v8, v2;
	v4 =	vand.u32 $0x80000000, v6;
	vm0 =	vlt.f32 v6, $0.0e+00  }
0xe0: {  	vm1 =	vgt.f32 v6, $0.0e+00;
	v7 =	vand.u32 $0x80000000, v5;
	v4 =	vor.u32 v4, v0  }
0xe1: {  	vm0 =	vmor vm1, vm0;
	vm1 =	vlt.f32 v5, $0.0e+00;
	vm2 =	vgt.f32 v5, $0.0e+00  }
0xe2: {  	[tilespmem:s1+$0x8210] =	vst v3;
	vm3 =	vgt.f32 v9, $0.0e+00;
	v3 =	vand.u32 $0x80000000, v10;
	vm14 =	vlt.f32 v10, $0.0e+00  }
0xe3: {  	[tilespmem:s1+$0x8200] =	vst v1;
	vm15 =	vgt.f32 v10, $0.0e+00;
	v1 =	vsel vm0, v4, v6;
	v4 =	vand.u32 $0x80000000, v9  }
0xe4: {  	[tilespmem:s1+$0x8220] =	vst v2;
	vm0 =	vlt.f32 v9, $0.0e+00;
	v2 =	vor.u32 v7, v0;
	vm1 =	vmor vm2, vm1  }
0xe5: {  	[tilespmem:s0+$0x8230] =	vst v1;
	v1 =	vor.u32 v4, v0;
	vm0 =	vmor vm3, vm0;
	v2 =	vsel vm1, v2, v5  }
0xe6: {  	v3 =	vor.u32 v3, v0;
	vm1 =	vmor vm15, vm14;
	v1 =	vsel vm0, v1, v9;
	[tilespmem:s0+$0x8200] =	vst v2  }
0xe7: {  	v2 =	vsel vm1, v3, v10;
	[tilespmem:s0+$0x8210] =	vst v1  }
0xe8: {  	s11 =	simm.s32 $0x0;
	[tilespmem:s0+$0x8220] =	vst v2  }
0xe9: {  	[hbm4b:s16+s11] =	stream.linear.scatter [tilespmem:s25], [sflag:$0x5], $0x4000, $0x38;
	[tilespmem:$0x10200] =	vst v63  }
0xea: {  	_ =	swait.ge [sflag:s26], $0x4000  }
0xeb: {  	[sflag:s26] =	ssyncset.done $0x0  }
0xec: {  	[sflag:s26] =	ssyncadd.s32 $0xFFFFC000  }
0xed: {  	_ =	swait.ge [sflag:s30], $0x4000  }
0xee: {  	[sflag:s30] =	ssyncset.done $0x0  }
0xef: {  	s1 =	simm.s32 $0x0;
	[sflag:s30] =	ssyncadd.s32 $0xFFFFC000  }
0xf0: {  	v5 =	vld [tilespmem:s1+$0x4230];
	_ =	sdelay $0x3  }
0xf1: {  	v1 =	vld [tilespmem:s1+$0x4200]  }
0xf2: {  	v3 =	vld [tilespmem:s1+$0x4210];
	v2 =	vand.u32 $0x80000000, v5  }
0xf3: {  	v6 =	vor.u32 v2, v0;
	v2 =	vld [tilespmem:s1+$0x4220];
	_ =	sdelay $0x1  }
0xf4: {  	vm0 =	vlt.f32 v5, $0.0e+00;
	vm1 =	vgt.f32 v5, $0.0e+00  }
0xf5: {  	v4 =	vand.u32 $0x80000000, v1;
	vm2 =	vmor vm1, vm0  }
0xf6: {  	s8 =	simm.s32 $0x400;
	s0 =	simm.s32 $0x80;
	vm0 =	vlt.f32 v1, $0.0e+00;
	vm1 =	vgt.f32 v1, $0.0e+00;
	v5 =	vsel vm2, v6, v5  }
.LBB2_14:
0xf7: {  	p0 =	sne.s32 s8, $0xFE00;
	v6 =	vld [tilespmem:s0+$0x4230];
	v7 =	vand.u32 $0x80000000, v3;
	vm2 =	vlt.f32 v3, $0.0e+00;
	vm3 =	vgt.f32 v3, $0.0e+00;
	[tilespmem:s1+$0xC230] =	vst v5;
	v5 =	vmovc v2  }
0xf8: {  	v8 =	vld [tilespmem:s0+$0x4200];
	v9 =	vand.u32 $0x80000000, v5;
	vm4 =	vlt.f32 v5, $0.0e+00;
	vm5 =	vgt.f32 v5, $0.0e+00  }
0xf9: {  	v4 =	vor.u32 v4, v0;
	vm0 =	vmor vm1, vm0;
	v7 =	vor.u32 v7, v0;
	v10 =	vld [tilespmem:s0+$0x4210]  }
.Ltmp6:
0xfa: {  	vm1 =	vmor vm3, vm2;
	v9 =	vor.u32 v9, v0;
	vm2 =	vmor vm5, vm4;
	v2 =	vld [tilespmem:s0+$0x4220];
	(pc) =	sbr.rel @p0 .LBB2_14-.Ltmp6, $4  }
0xfb: {  	v11 =	vsel vm0, v4, v1;
	v3 =	vsel vm1, v7, v3;
	v7 =	vsel vm2, v9, v5  }
0xfc: {  	v5 =	vand.u32 $0x80000000, v6;
	vm0 =	vlt.f32 v6, $0.0e+00;
	vm1 =	vgt.f32 v6, $0.0e+00;
	[tilespmem:s1+$0xC200] =	vst v11  }
0xfd: {  	v4 =	vand.u32 $0x80000000, v8;
	v5 =	vor.u32 v5, v0;
	vm2 =	vmor vm1, vm0;
	[tilespmem:s1+$0xC210] =	vst v3;
	v1 =	vmovc v8  }
0xfe: {  	vm0 =	vlt.f32 v1, $0.0e+00;
	vm1 =	vgt.f32 v1, $0.0e+00;
	v5 =	vsel vm2, v5, v6;
	[tilespmem:s1+$0xC220] =	vst v7;
	v3 =	vmovc v10;
	s1 =	smov.u32 s0;
	s0 =	sshra.s32 s8, $0x2;
	s8 =	sadd.s32 $0x200, s8  }
0xff: {  	v6 =	vld [tilespmem:s0+$0x4230];
	v7 =	vand.u32 $0x80000000, v3;
	vm2 =	vlt.f32 v3, $0.0e+00;
	[tilespmem:s1+$0xC230] =	vst v5  }
0x100: {  	vm3 =	vgt.f32 v3, $0.0e+00;
	v8 =	vand.u32 $0x80000000, v2;
	vm4 =	vlt.f32 v2, $0.0e+00;
	v5 =	vld [tilespmem:s0+$0x4200]  }
0x101: {  	vm5 =	vgt.f32 v2, $0.0e+00;
	v4 =	vor.u32 v4, v0;
	vm0 =	vmor vm1, vm0  }
0x102: {  	v9 =	vld [tilespmem:s0+$0x4210];
	v7 =	vor.u32 v7, v0;
	vm15 =	vmor vm3, vm2;
	v8 =	vor.u32 v8, v0  }
0x103: {  	v10 =	vld [tilespmem:s0+$0x4220];
	vm6 =	vmor vm5, vm4;
	v1 =	vsel vm0, v4, v1;
	v3 =	vsel vm15, v7, v3  }
0x104: {  	v2 =	vsel vm6, v8, v2;
	v61 =	vand.u32 $0x80000000, v6;
	vm7 =	vlt.f32 v6, $0.0e+00  }
0x105: {  	vm8 =	vgt.f32 v6, $0.0e+00;
	v62 =	vand.u32 $0x80000000, v5;
	v4 =	vor.u32 v61, v0  }
0x106: {  	vm0 =	vmor vm8, vm7;
	vm9 =	vlt.f32 v5, $0.0e+00;
	vm10 =	vgt.f32 v5, $0.0e+00  }
0x107: {  	[tilespmem:s1+$0xC200] =	vst v1;
	v63 =	vand.u32 $0x80000000, v9;
	vm11 =	vlt.f32 v9, $0.0e+00;
	vm12 =	vgt.f32 v9, $0.0e+00  }
0x108: {  	[tilespmem:s1+$0xC210] =	vst v3;
	v3 =	vand.u32 $0x80000000, v10;
	vm13 =	vlt.f32 v10, $0.0e+00;
	vm14 =	vgt.f32 v10, $0.0e+00  }
0x109: {  	[tilespmem:s1+$0xC220] =	vst v2;
	v1 =	vsel vm0, v4, v6;
	v2 =	vor.u32 v62, v0;
	vm1 =	vmor vm10, vm9  }
0x10a: {  	vm0 =	vmor vm12, vm11;
	[tilespmem:s0+$0xC230] =	vst v1;
	v1 =	vor.u32 v63, v0;
	v2 =	vsel vm1, v2, v5  }
0x10b: {  	v3 =	vor.u32 v3, v0;
	vm15 =	vmor vm14, vm13;
	v1 =	vsel vm0, v1, v9;
	[tilespmem:s0+$0xC200] =	vst v2  }
0x10c: {  	v2 =	vsel vm15, v3, v10;
	[tilespmem:s0+$0xC210] =	vst v1  }
0x10d: {  	s31 =	sadd.s32 $0x1, s31;
	[tilespmem:s0+$0xC220] =	vst v2  }
0x10e: {  	[hbm4b:s17+s3] =	stream.linear.scatter [tilespmem:s28], [sflag:$0x6], $0x4000, $0x38;
	[tilespmem:$0x10200] =	vst v63  }
0x10f: {  	p0 =	sne.s32 s31, s18;
	_ =	swait.ge [sflag:s29], $0x4000  }
.Ltmp7:
0x110: {  	[sflag:s29] =	ssyncset.done $0x0;
	(pc) =	sbr.rel @p0 .LBB2_1-.Ltmp7, $4  }
0x111: {  	[sflag:s29] =	ssyncadd.s32 $0xFFFFC000  }
0x112: {  	_ =	swait.ge [sflag:s30], $0x4000  }
0x113: {  	[sflag:s30] =	ssyncset.done $0x0  }
0x114: {  	[sflag:s30] =	ssyncadd.s32 $0xFFFFC000  }
0x115: {  	_ =	sfence.sel $0x180000  }
0x116: {  	[bflag:$0x0] =	sbarrier.arrive $0xFFFF  }
0x117: {  	_ =	strace $0x90000047  }
0x118: {  	s0 =	stileid.u32;
	[bflag:$0x2] =	sbarrier.arrive $0xFFFF  }
0x119: {  	p0 =	sne.s32 s0, $0x0;
	s0 =	rddreg [dreg:$0x2]  }
0x11a: {  	s0 =	sadd.s32 @!p0 $0x100000, s0  }
0x11b: {  	[sflag:s0] =	ssyncadd.tile.s32 @!p0 $0x1;
	_ =	shalt  }
.Lfunc_end2:
_tile_overlayer_lowered:
.L_overlay_start_2:
0x11c: {  	(tag) =	ssettag $0x2  }
0x11d: {  	s0 =	rddreg [dreg:$0x0];
	s2 =	stileid.u32  }
0x11e: {  	s1 =	rddreg [dreg:$0x1];
	p0 =	sne.s32 s2, $0x0  }
0x11f: {  	s3 =	rddreg [dreg:$0x2];
	[bflag:$0x3] =	sbarrier.arrive $0xFFFF;
	s2 =	simm.s32 @!p0 $0x1C07  }
0x120: {  	[timem:s3], [sflag:s2] =	dma.local @!p0 [hbm:s0], s1  }
0x121: {  	s0 =	simm.s32 @!p0 $0x7  }
0x122: {  	_ =	swait.ge @!p0 [sflag:s0], s1  }
0x123: {  	s1 =	ssub.s32 @!p0 $0x0, s1;
	[sflag:s0] =	ssyncset.done @!p0 $0x0  }
0x124: {  	[sflag:s0] =	ssyncadd.s32 @!p0 s1  }
0x125: {  	[bflag:$0x3] =	sbarrier.arrive $0xFFFF  }
0x126: {  	_ =	shalt  }

// kernel: sparse-core-data-format-call.cloned.1.call-start
scs
called_computation_lowered:
.L_overlay_start_0:
0x0: {  	s2 =	sld [smem:$0x3FD9]  }
0x1: {  	s3 =	sld [smem:$0x3FFE];
	_ =	sdelay $0x1  }
0x2: {  	s1 =	srdreg.scid  }
0x3: {  	s0 =	sand.u32 $0x1, s1  }
0x4: {  	s18 =	sshll.u32 s0, $0xA;
	s2 =	sadd.s32 s3, s2  }
0x5: {  	s2 =	sadd.s32 s2, s18  }
0x6: {  	[smem:$0x3FC6] =	sst s2  }
0x7: {  	_ = 	snop  }
0x8: {  	s2 =	sld [smem:$0x3FD0];
	(tm) =	ssettm $0x1  }
0x9: {  	s19 =	sld [smem:$0x3FFB];
	_ =	sdelay $0x3  }
0xa: {  	_ =	strace s19  }
0xb: {  	s3 =	sld [smem:$0x3FFC];
	_ =	sdelay $0x3  }
0xc: {  	_ =	strace s3  }
0xd: {  	s3 =	sld [smem:$0x3FFD];
	_ =	sdelay $0x3  }
0xe: {  	_ =	strace s3  }
0xf: {  	_ =	strace $0x8FFFFFFF  }
0x10: {  	s20 =	sld [smem:$0x3FDB];
	_ =	sdelay $0x1  }
0x11: {  	s4 =	simm.s32 $_scs_section_size  }
0x12: {  	s5 =	simm.s32 $_size__tile_overlayer_lowered;
	s6 =	simm.s32 $_tile_overlayer_lowered  }
0x13: {  	s23 =	simm.s32 $0x1BFF;
	s22 =	sshll.u32 s6, $0x1;
	s3 =	sadd.s32 s4, s20  }
0x14: {  	s7 =	simm.s32 $0x0;
	s21 =	sshll.u32 s5, $0x1;
	s5 =	sadd.s32 s22, s3  }
0x15: {  	[timem:s7], [sflag:s23] =	dma.local [hbm:s5], s21  }
0x16: {  	_ =	swait.ge [sflag:s23], s21  }
0x17: {  	s4 =	ssub.s32 $0x0, s21;
	[sflag:s23] =	ssyncset.done $0x0  }
0x18: {  	[sflag:s23] =	ssyncadd.s32 s4;
	_ =	sdelay $0x1  }
0x19: {  	s24 =	simm.s32 $0x1B8B  }
0x1a: {  	_ =	swait.ge [sflag:s24], $0x1  }
0x1b: {  	[sflag:s24] =	ssyncset.done $0x0  }
0x1c: {  	s26 =	simm.s32 $0x1B8E;
	s25 =	sld [smem:$0x3FFE];
	[sflag:s24] =	ssyncadd.s32 $0xFFFFFFFF  }
0x1d: {  	s27 =	simm.s32 $execute0_lowered;
	[smem:$0x3FD2] =	sst s26  }
0x1e: {  	s5 =	sshll.u32 s27, $0x1;
	_ =	strace $0x80000049;
	[dreg:$0x1] =	wrdreg $0xFFFFFFFF  }
0x1f: {  	s28 =	simm.s32 $_size_execute0_lowered;
	s3 =	sadd.s32 s3, s5;
	[dreg:$0x0] =	wrdreg $0x0  }
0x20: {  	s5 =	sshll.u32 s28, $0x1;
	[dreg:$0x2] =	wrdreg s3  }
0x21: {  	[dreg:$0x3] =	wrdreg s5  }
0x22: {  	[dreg:$0x4] =	wrdreg $0xC0  }
0x23: {  	_ =	task [dreg:s7], $0x5FFFF  }
0x24: {  	[dreg:$0x1] =	wrdreg $0xFFFFFFFF  }
0x25: {  	[dreg:$0x0] =	wrdreg $0x60  }
0x26: {  	[dreg:$0x2] =	wrdreg s25  }
0x27: {  	[dreg:$0x3] =	wrdreg s2  }
0x28: {  	[dreg:$0x4] =	wrdreg $0x9  }
0x29: {  	_ =	task.clear_ibuf [dreg:s7], $0x5FFFF;
	_ =	strace $0x90000049  }
0x2a: {  	s29 =	simm.s32 $0x9;
	_ =	strace $0x8000004B  }
0x2b: {  	_ =	swait.ge [sflag:s29], $0x1  }
0x2c: {  	[sflag:s29] =	ssyncadd.s32 $0xFFFFFFFF  }
0x2d: {  	_ =	strace $0x9000004B  }
0x2e: {  	_ =	sfence  }
0x2f: {  	s30 =	sld [smem:$0x0];
	_ =	sdelay $0x2  }
0x30: {  	s31 =	sshll.u32 s1, $0xD;
	s1 =	sshrl.u32 s1, $0x2  }
0x31: {  	s3 =	sand.u32 $0x4000, s31;
	s1 =	sadd.s32 s1, s30  }
0x32: {  	s0 =	sor.u32 s3, s0;
	s1 =	sshll.u32 s1, $0x11  }
0x33: {  	s0 =	sor.u32 s1, s0  }
0x34: {  	s0 =	sadd.s32 $0x8F2B, s0  }
0x35: {  	[sflag:s0] =	ssyncadd.remote.s32 $0x1  }
0x36: {  	_ =	sfence.sel $0xFFFF  }
0x37: {  	[dreg:$0x0] =	wrdreg $0xFFFFFFFF;
	(pc) =	sbr.abs _section_cstart, $3  }
0x38: {  	[dreg:$0x1] =	wrdreg $0xFFFFFFFF  }
0x39: {  	_ =	task.clear_ibuf [dreg:s7], $0x2FFFF;
	_ =	strace $0x9FFFFFFF  }
0x3a: {  	(tm) =	ssettm $0x7FFFFFFF  }
0x3b: {  	_ =	shalt  }
tec
execute0_lowered:
.L_overlay_start_1:
0x0: {  	(tag) =	ssettag $0x1  }
0x1: {  	s0 =	srdreg.scid  }
0x2: {  	s1 =	sshll.u32 s0, $0x4  }
0x3: {  	s0 =	stileid.u32;
	s1 =	sand.u32 $0x10, s1  }
0x4: {  	s1 =	sor.u32 s0, s1  }
0x5: {  	s6 =	rddreg [dreg:$0x0];
	s4 =	simm.s32 $0x1;
	s2 =	sshll.u32 s1, $0x7  }
0x6: {  	s7 =	simm.s32 $0x2;
	s12 =	simm.s32 $0x0;
	s1 =	ssub.s32 $0x1000, s2  }
0x7: {  	s8 =	simm.s32 $0x8000;
	s13 =	simm.s32 $0x0;
	s3 =	sand.u32 $0xF80, s1  }
0x8: {  	s9 =	simm.s32 $0x0;
	s5 =	sshrl.u32 s1, $0xC;
	p0 =	sne.s32 s3, $0x0  }
.Ltmp0:
0x9: {  	s1 =	rddreg [dreg:$0x2];
	s4 =	simm.s32 @!p0 $0x0;
	(pc) =	sbr.rel .LBB1_1-.Ltmp0, $4  }
0xa: {  	s11 =	simm.s32 $0x0;
	s3 =	rddreg [dreg:$0x1];
	s5 =	sadd.s32 s4, s5  }
0xb: {  	_ =	strace $0x8000004A;
	s4 =	simm.s32 $0x1;
	s5 =	smul.u32 $0xC8, s5  }
0xc: {  	s6 =	sadd.s32 $0xA00, s6;
	s10 =	smov.u32 s2;
	[sflag:s4] =	ssyncpa.u1 $0x0  }
0xd: {  	p0 =	por $0x0, $0x0;
	[sflag:s7] =	ssyncpa.u1 $0x0;
	s7 =	sor.u32 $0x1, s5  }
.LBB1_4:
0xe: {  	s16 =	sshll.u32 s13, $0x3;
	s17 =	sand.u32 $0x78, s13  }
0xf: {  	s30 =	sand.u32 $0x7E00, s13;
	s12 =	sshll.u32 s12, $0xF;
	s16 =	sand.u32 $0xC00, s16  }
0x10: {  	[tilespmem:s15+$0x810 ss:$0x81] =	vst.msk $0xffff, v2;
	s31 =	sand.u32 $0x7, s13;
	s16 =	sor.u32 s17, s16;
	s17 =	sadd.s32 s3, s30  }
0x11: {  	[tilespmem:s15+$0x1020 ss:$0x81] =	vst.msk $0xffff, v0;
	s13 =	sshll.u32 s31, $0x12;
	s12 =	sadd.s32 s12, s17;
	s16 =	sshrl.u32 s16, $0x3  }
0x12: {  	[tilespmem:s15+$0x0 ss:$0x81] =	vst.msk $0xffff, v1;
	s13 =	sor.u32 $0x400, s13;
	s12 =	sadd.s32 s16, s12  }
0x13: {  	[hbm4b:s12+s13] =	stream.strided.scatter [tilespmem:s14], [sflag:$0x2], $0x2000, s8, s13, $0x20;
	[tilespmem:$0x8080] =	vst v63  }
.LBB1_5:
0x14: {  	s14 =	sadd.s32 $0x1, s9  }
0x15: {  	s12 =	sadd.s32 $0x1000, s10;
	s16 =	smov.u32 s10;
	p2 =	sgt.s32 s14, $0xC7  }
0x16: {  	s16 =	smov.u32 @p2 s12  }
0x17: {  	s14 =	simm.s32 @p2 $0x0;
	p2 =	sgt.s32 s16, $0xFFF  }
0x18: {  	s16 =	smov.u32 @p2 s2;
	p2 =	sne.s32 s11, s7  }
.Ltmp1:
0x19: {  	p1 =	slt.u32 s11, $0x2;
	(pc) =	sbr.rel @!p2 .LBB1_6-.Ltmp1, $4  }
0x1a: {  	s15 =	simm.s32 @!p1 $0x2  }
0x1b: {  	s13 =	smov.u32 s10;
	p0 =	por !p0, !p0;
	_ =	swait.ge @!p1 [sflag:s15], $0x2000  }
0x1c: {  	s12 =	smov.u32 s9;
	[sflag:s15] =	ssyncset.done @!p1 $0x0;
	s9 =	smov.u32 s14  }
0x1d: {  	s11 =	sadd.s32 $0x1, s11;
	[sflag:s15] =	ssyncadd.s32 @!p1 $0xFFFFE000;
	s10 =	smov.u32 s16  }
.LBB1_1:
0x1e: {  	p1 =	sge.u32 s11, s5  }
0x1f: {  	s14 =	sand.u32 @!p1 $0x1FFFFFF, s9  }
0x20: {  	s15 =	smulhi.u32 @!p1 $0x147AE15, s14;
	_ =	sdelay $0x1  }
0x21: {  	s15 =	smul.u32 @!p1 $0xC8, s15  }
0x22: {  	s16 =	sxor.u32 @!p1 $0xFFFFFFFF, s11;
	s17 =	smul.u32 @!p1 $0xC80, s10  }
0x23: {  	s31 =	sadd.s32 $0xFFFFFFFF, s11;
	s16 =	sshll.u32 @!p1 s16, $0xD;
	s14 =	ssub.s32 @!p1 s14, s15  }
0x24: {  	s15 =	sand.u32 @!p1 $0x2000, s16;
	s16 =	sadd.s32 @!p1 s6, s17;
	s14 =	sshll.u32 @!p1 s14, $0x4  }
0x25: {  	s17 =	simm.s32 @!p1 $0x6400;
	s14 =	sadd.s32 @!p1 s14, s16;
	s16 =	simm.s32 @!p1 $0x40  }
0x26: {  	[tilespmem:s15], [sflag:$0x1] =	stream.strided.gather @!p1 [hbm4b:s14+s16], $0x2000, s17, s16, $0x38;
	[tilespmem:$0x8080] =	vst v63  }
0x27: {  	p1 =	sge.u32 s31, s5  }
.Ltmp2:
0x28: {  	_ = 	snop;
	(pc) =	sbr.rel @p1 .LBB1_5-.Ltmp2, $1  }
0x29: {  	_ =	sdelay $0x3  }
0x2a: {  	s14 =	simm.s32 $0x1  }
0x2b: {  	_ =	swait.ge [sflag:s4], $0x2000;
	s14 =	simm.s32 @!p0 $0x0  }
0x2c: {  	[sflag:s4] =	ssyncset.done $0x0;
	s15 =	sshll.u32 s14, $0xD  }
0x2d: {  	[sflag:s4] =	ssyncadd.s32 $0xFFFFE000;
	s18 =	sor.u32 $0x20, s15  }
0x2e: {  	s14 =	smul.u32 $0x8100, s14;
	v3 =	vld [tilespmem:s18+$0x10]  }
0x2f: {  	s30 =	sand.u32 $0x1, s11;
	v2 =	vld [tilespmem:s18+$0xFFFFFFF0]  }
0x30: {  	s15 =	smul.u32 $0x8100, s30;
	s14 =	sshrl.u32 s14, $0x2;
	v0 =	vld [tilespmem:s18+$0x0]  }
0x31: {  	v1 =	vld [tilespmem:s18+$0xFFFFFFE0];
	s16 =	sor.u32 $0x4000, s14  }
0x32: {  	s31 =	sshrl.u32 s15, $0x2;
	s15 =	sadd.s32 $0x0, s16  }
0x33: {  	s17 =	simm.s32 $0x4;
	s18 =	sadd.s32 $0x40, s18;
	s14 =	sor.u32 $0x4000, s31;
	[tilespmem:s15+$0x1830 ss:$0x81] =	vst.msk $0xffff, v3  }
.LBB1_3:
0x34: {  	v3 =	vld [tilespmem:s18+$0x10];
	p1 =	sne.s32 s17, $0x1FC;
	[tilespmem:s15+$0x810 ss:$0x81] =	vst.msk $0xffff, v2;
	s19 =	smov.u32 s17;
	s17 =	sadd.s32 $0x4, s17  }
.Ltmp3:
0x35: {  	v2 =	vld [tilespmem:s18+$0xFFFFFFF0];
	[tilespmem:s15+$0x1020 ss:$0x81] =	vst.msk $0xffff, v0;
	(pc) =	sbr.rel @p1 .LBB1_3-.Ltmp3, $4  }
0x36: {  	v0 =	vld [tilespmem:s18+$0x0];
	[tilespmem:s15+$0x0 ss:$0x81] =	vst.msk $0xffff, v1  }
0x37: {  	s15 =	sshra.s32 s19, $0x2;
	v1 =	vld [tilespmem:s18+$0xFFFFFFE0]  }
0x38: {  	s15 =	sadd.s32 s15, s16  }
0x39: {  	s18 =	sadd.s32 $0x40, s18;
	[tilespmem:s15+$0x1830 ss:$0x81] =	vst.msk $0xffff, v3  }
.Ltmp4:
0x3a: {  	_ = 	snop;
	(pc) =	sbr.rel .LBB1_4-.Ltmp4, $1  }
0x3b: {  	_ =	sdelay $0x3  }
.LBB1_6:
0x3c: {  	_ =	sfence.sel $0x180000  }
0x3d: {  	s2 =	simm.s32 $0x1;
	[bflag:$0x0] =	sbarrier.arrive $0xFFFF  }
0x3e: {  	s31 =	simm.s32 $0x2;
	[sflag:s2] =	ssyncpa.u1 $0x1  }
0x3f: {  	[sflag:s31] =	ssyncpa.u1 $0x1  }
0x40: {  	p0 =	sne.s32 s0, $0x0;
	_ =	strace $0x9000004A  }
0x41: {  	s0 =	sadd.s32 @!p0 $0x100000, s1;
	[bflag:$0x2] =	sbarrier.arrive $0xFFFF  }
0x42: {  	[sflag:s0] =	ssyncadd.tile.s32 @!p0 $0x1;
	_ =	shalt  }
.Lfunc_end1:
_tile_overlayer_lowered:
.L_overlay_start_2:
0x43: {  	(tag) =	ssettag $0x2  }
0x44: {  	s0 =	rddreg [dreg:$0x0];
	s2 =	stileid.u32  }
0x45: {  	s1 =	rddreg [dreg:$0x1];
	p0 =	sne.s32 s2, $0x0  }
0x46: {  	s3 =	rddreg [dreg:$0x2];
	[bflag:$0x3] =	sbarrier.arrive $0xFFFF;
	s2 =	simm.s32 @!p0 $0x1C01  }
0x47: {  	[timem:s3], [sflag:s2] =	dma.local @!p0 [hbm:s0], s1  }
0x48: {  	s0 =	simm.s32 @!p0 $0x1  }
0x49: {  	_ =	swait.ge @!p0 [sflag:s0], s1  }
0x4a: {  	s1 =	ssub.s32 @!p0 $0x0, s1;
	[sflag:s0] =	ssyncset.done @!p0 $0x0  }
0x4b: {  	[sflag:s0] =	ssyncadd.s32 @!p0 s1  }
0x4c: {  	[bflag:$0x3] =	sbarrier.arrive $0xFFFF  }
0x4d: {  	_ =	shalt  }

</sc_bundles>
